<compile_context>
chip_gen: v7x
topology: tpu7x:2x2x1
jax: 0.10.2.dev20260603
libtpu: 0.0.44.dev20260713+nightly
codegen_flags: <defaults>
</compile_context>

<pallas_src>
import functools

import jax
import jax.numpy as jnp
from jax import lax
from jax.experimental import pallas as pl
from jax.experimental.pallas import tpu as pltpu
from jax.experimental.pallas import tpu_sc as plsc

N_NODES = 10000
N_EDGES = 160000
D = 128

NW = 32
BT = 256
NPAD = 12288
E_PAD = 163840
SDEG_LEN = NPAD + 8


def _sc_gather(table, idx, per_worker_rows):
    rows_total = idx.shape[0]
    d = table.shape[1]
    nch = per_worker_rows
    assert nch * NW * 128 == rows_total

    mesh = plsc.VectorSubcoreMesh(core_axis_name="c", subcore_axis_name="s")

    nbuf = 4

    @functools.partial(
        pl.kernel,
        out_type=jax.ShapeDtypeStruct((rows_total, d), jnp.float32),
        mesh=mesh,
        scratch_types=[
            pltpu.VMEM((nch * 128,), jnp.int32),
            pltpu.VMEM((nbuf, 128, d), jnp.float32),
            pltpu.SemaphoreType.DMA((nbuf,)),
            pltpu.SemaphoreType.DMA((nbuf,)),
        ],
    )
    def gath(table_hbm, idx_hbm, out_hbm, idx_v, rows_v, gsem, ssem):
        wid = lax.axis_index("c") * 16 + lax.axis_index("s")
        base = wid * nch * 128
        pltpu.sync_copy(idx_hbm.at[pl.ds(base, nch * 128)], idx_v)

        def fire_gather(j, buf):
            pltpu.async_copy(
                table_hbm.at[idx_v.at[pl.ds(j * 128, 128)]],
                rows_v.at[buf], gsem.at[buf])

        for j in range(min(nbuf - 1, nch)):
            fire_gather(j, j % nbuf)

        def one(j, _):
            buf = j % nbuf
            pltpu.make_async_copy(
                table_hbm.at[idx_v.at[pl.ds(0, 128)]], rows_v.at[buf],
                gsem.at[buf]).wait()
            pltpu.async_copy(rows_v.at[buf],
                             out_hbm.at[pl.ds(base + j * 128, 128), :],
                             ssem.at[buf])
            nxt = j + nbuf - 1

            @pl.when(jnp.logical_and(nxt < nch, j >= 1))
            def _wait_prev_scatter():
                pltpu.make_async_copy(
                    rows_v.at[(j - 1) % nbuf],
                    out_hbm.at[pl.ds(base, 128), :],
                    ssem.at[(j - 1) % nbuf]).wait()

            @pl.when(nxt < nch)
            def _prefetch():
                fire_gather(nxt, nxt % nbuf)

            return 0

        lax.fori_loop(0, nch, one, 0)
        for k in range(min(nbuf, nch)):
            j = nch - 1 - k
            pltpu.make_async_copy(
                rows_v.at[j % nbuf],
                out_hbm.at[pl.ds(base, 128), :],
                ssem.at[j % nbuf]).wait()

    return gath(table, idx)


def _tc_gru_body(meta, deg_s, x_hbm, wih_v, whh_v, bih_v, bhh_v,
                 wself_v, wneigh_v, pa_v, out_v, h_v, xb_v, sems):
    nsteps = meta[0]
    k0 = meta[1]

    h_v[...] = jnp.zeros((NPAD, D), jnp.float32)

    def find_k(t):
        def bs(_, lohi):
            lo, hi = lohi
            mid = (lo + hi) // 2
            gt = deg_s[mid] > t
            return jnp.where(gt, mid + 1, lo), jnp.where(gt, hi, mid)

        lo, _ = lax.fori_loop(0, 14, bs, (jnp.int32(0), jnp.int32(NPAD)))
        return lo

    def fire(buf, off, k):
        nblk = (k + BT - 1) // BT

        def f(b, _):
            pltpu.make_async_copy(
                x_hbm.at[pl.ds(off + b * BT, BT), :],
                xb_v.at[buf, pl.ds(b * BT, BT), :],
                sems.at[buf],
            ).start()
            return 0

        lax.fori_loop(0, nblk, f, 0)

    def drain(buf, k):
        nblk = (k + BT - 1) // BT

        def f(b, _):
            pltpu.make_async_copy(
                x_hbm.at[pl.ds(0, BT), :],
                xb_v.at[buf, pl.ds(b * BT, BT), :],
                sems.at[buf],
            ).wait()
            return 0

        lax.fori_loop(0, nblk, f, 0)

    fire(jnp.int32(0), jnp.int32(0), k0)

    def step(t, carry):
        off, k = carry
        buf = t % 2
        off_next = off + k
        k_next = find_k(t + 1)
        fire(1 - buf, off_next, k_next)
        drain(buf, k)

        nblk = (k + BT - 1) // BT

        def blk(b, _):
            row0 = b * BT
            x = xb_v[buf, pl.ds(row0, BT), :].astype(jnp.bfloat16)
            hb = h_v[pl.ds(row0, BT), :]
            gi = jnp.dot(x, wih_v[...], preferred_element_type=jnp.float32)
            gi = gi + bih_v[...]
            gh = jnp.dot(hb.astype(jnp.bfloat16), whh_v[...],
                         preferred_element_type=jnp.float32)
            gh = gh + bhh_v[...]
            r = jax.nn.sigmoid(gi[:, 0:D] + gh[:, 0:D])
            z = jax.nn.sigmoid(gi[:, D:2 * D] + gh[:, D:2 * D])
            n = jnp.tanh(gi[:, 2 * D:3 * D] + r * gh[:, 2 * D:3 * D])
            hn = (1.0 - z) * n + z * hb
            rowids = row0 + lax.broadcasted_iota(jnp.int32, (BT, 1), 0)
            h_v[pl.ds(row0, BT), :] = jnp.where(rowids < k, hn, hb)
            return 0

        lax.fori_loop(0, nblk, blk, 0)
        return off_next, k_next

    lax.fori_loop(0, nsteps, step, (jnp.int32(0), k0))

    def fire_fin(b):
        pltpu.make_async_copy(
            x_hbm.at[pl.ds(E_PAD + b * BT, BT), :],
            xb_v.at[b % 2, pl.ds(0, BT), :],
            sems.at[b % 2],
        ).start()

    fire_fin(jnp.int32(0))

    def fin(b, _):
        buf = b % 2

        @pl.when(b + 1 < NPAD // BT)
        def _prefetch():
            fire_fin(b + 1)

        pltpu.make_async_copy(
            x_hbm.at[pl.ds(E_PAD, BT), :],
            xb_v.at[buf, pl.ds(0, BT), :],
            sems.at[buf],
        ).wait()
        row0 = b * BT
        f = xb_v[buf, pl.ds(0, BT), :].astype(jnp.bfloat16)
        hb = h_v[pl.ds(row0, BT), :]
        rst = jnp.dot(f, wself_v[...], preferred_element_type=jnp.float32)
        rst = rst + jnp.dot(hb.astype(jnp.bfloat16), wneigh_v[...],
                            preferred_element_type=jnp.float32)
        out_v[pl.ds(row0, BT), :] = jnp.where(rst >= 0, rst, pa_v[...] * rst)
        return 0

    lax.fori_loop(0, NPAD // BT, fin, 0)


def _tc_gru(meta, deg_pad, x_tm, wih_t, whh_t, bih2, bhh2, wself_t,
            wneigh_t, pa2, interpret=False):
    return pl.pallas_call(
        _tc_gru_body,
        grid=(),
        in_specs=[
            pl.BlockSpec(memory_space=pltpu.SMEM),
            pl.BlockSpec(memory_space=pltpu.SMEM),
            pl.BlockSpec(memory_space=pltpu.MemorySpace.HBM),
            pl.BlockSpec(memory_space=pltpu.VMEM),
            pl.BlockSpec(memory_space=pltpu.VMEM),
            pl.BlockSpec(memory_space=pltpu.VMEM),
            pl.BlockSpec(memory_space=pltpu.VMEM),
            pl.BlockSpec(memory_space=pltpu.VMEM),
            pl.BlockSpec(memory_space=pltpu.VMEM),
            pl.BlockSpec(memory_space=pltpu.VMEM),
        ],
        out_specs=pl.BlockSpec(memory_space=pltpu.VMEM),
        out_shape=jax.ShapeDtypeStruct((NPAD, D), jnp.float32),
        scratch_shapes=[
            pltpu.VMEM((NPAD, D), jnp.float32),
            pltpu.VMEM((2, 10240, D), jnp.float32),
            pltpu.SemaphoreType.DMA((2,)),
        ],
        interpret=interpret,
    )(meta, deg_pad, x_tm, wih_t, whh_t, bih2, bhh2, wself_t,
      wneigh_t, pa2)


def _preprocess(edge_index):
    src = edge_index[0].astype(jnp.int32)
    dst = edge_index[1].astype(jnp.int32)
    e = src.shape[0]
    n = N_NODES
    ii = jnp.arange(e, dtype=jnp.int32)
    dst_s, src_s = lax.sort([dst, src], num_keys=1, is_stable=True)
    one_true = jnp.ones((1,), jnp.bool_)
    is_start = jnp.concatenate([one_true, dst_s[1:] != dst_s[:-1]])
    start_pos = lax.cummax(jnp.where(is_start, ii, 0), axis=0)
    p = ii - start_pos

    deg = jnp.zeros(n, jnp.int32).at[dst].add(1)
    starts = jnp.cumsum(deg) - deg
    deg_sorted = -jnp.sort(-deg)
    rank_order = jnp.argsort(-deg, stable=True).astype(jnp.int32)
    inv_rank = jnp.zeros(n, jnp.int32).at[rank_order].set(
        jnp.arange(n, dtype=jnp.int32))
    sidx = jnp.where(deg > 0, starts, e)
    packed = (starts.astype(jnp.uint32) << 14) | inv_rank.astype(jnp.uint32)
    rstart = jnp.zeros(e + 1, jnp.uint32).at[sidx].set(packed)
    r = lax.cummax(rstart[:e], axis=0) & jnp.uint32(0x3FFF)
    key3 = (p.astype(jnp.uint32) << 14) | r
    _, src_tm_e = lax.sort([key3, src_s], num_keys=1, is_stable=True)
    src_tm = jnp.zeros(E_PAD, jnp.int32).at[:e].set(src_tm_e)

    nsteps = jnp.max(deg)
    k0 = jnp.sum((deg > 0).astype(jnp.int32))
    meta = jnp.stack([nsteps, k0]).astype(jnp.int32)
    deg_pad = jnp.zeros(SDEG_LEN, jnp.int32).at[:n].set(deg_sorted)
    return src_tm, rank_order, inv_rank, meta, deg_pad


def kernel(feat, edge_index, user, last_nodes, W_ih, W_hh, b_ih, b_hh,
           W_self, W_neigh, prelu_a):
    del user, last_nodes
    n = N_NODES
    src_tm, rank_order, inv_rank, meta, deg_pad = _preprocess(edge_index)

    idx2 = jnp.zeros(NPAD, jnp.int32).at[:n].set(rank_order)
    gidx = jnp.concatenate([src_tm, idx2])
    x_tm = _sc_gather(feat, gidx, (E_PAD + NPAD) // (NW * 128))

    rst_r = _tc_gru(
        meta, deg_pad, x_tm,
        W_ih.T.astype(jnp.bfloat16), W_hh.T.astype(jnp.bfloat16),
        b_ih.reshape(1, 3 * D), b_hh.reshape(1, 3 * D),
        W_self.T.astype(jnp.bfloat16), W_neigh.T.astype(jnp.bfloat16),
        prelu_a.reshape(1, D),
    )

    idx3 = jnp.zeros(NPAD, jnp.int32).at[:n].set(inv_rank)
    out = _sc_gather(rst_r, idx3, NPAD // (NW * 128))
    return out[:n]

# --- scband reference (transcript-rebuilt; emitter-appended) ---
"""Pipeline reference for scband-grucov-72799695667429 (READ-ONLY COPY).

The authoritative reference and input builder live on the scoring server;
editing this copy changes nothing except your own understanding.
"""

import jax, jax.numpy as jnp
import numpy as np

N_NODES = 10000
N_EDGES = 160000
D = 128


def _gru_cell(x, h, W_ih, W_hh, b_ih, b_hh):
    gi = x @ W_ih.T + b_ih
    gh = h @ W_hh.T + b_hh
    i_r, i_z, i_n = jnp.split(gi, 3, axis=-1)
    h_r, h_z, h_n = jnp.split(gh, 3, axis=-1)
    r = jax.nn.sigmoid(i_r + h_r)
    z = jax.nn.sigmoid(i_z + h_z)
    n = jnp.tanh(i_n + r * h_n)
    return (1.0 - z) * n + z * h


def setup_inputs(seed: int = 0):
    key = jax.random.key(seed)
    ks = jax.random.split(key, 12)
    feat = jax.random.normal(ks[0], (N_NODES, D), dtype=jnp.float32)
    edge_index = jax.random.randint(ks[1], (2, N_EDGES), 0, N_NODES, dtype=jnp.int32)
    user = jax.random.randint(ks[2], (N_NODES,), 0, N_NODES, dtype=jnp.int32)
    last_nodes = jax.random.randint(ks[3], (64,), 0, N_NODES, dtype=jnp.int32)
    s = 1.0 / np.sqrt(D)
    W_ih = jax.random.uniform(ks[4], (3 * D, D), minval=-s, maxval=s, dtype=jnp.float32)
    W_hh = jax.random.uniform(ks[5], (3 * D, D), minval=-s, maxval=s, dtype=jnp.float32)
    b_ih = jax.random.uniform(ks[6], (3 * D,), minval=-s, maxval=s, dtype=jnp.float32)
    b_hh = jax.random.uniform(ks[7], (3 * D,), minval=-s, maxval=s, dtype=jnp.float32)
    W_self = jax.random.uniform(ks[8], (D, D), minval=-s, maxval=s, dtype=jnp.float32)
    W_neigh = jax.random.uniform(ks[9], (D, D), minval=-s, maxval=s, dtype=jnp.float32)
    prelu_a = jnp.full((D,), 0.25, dtype=jnp.float32)
    return {"feat": feat, "edge_index": edge_index, "user": user, "last_nodes": last_nodes,
            "W_ih": W_ih, "W_hh": W_hh, "b_ih": b_ih, "b_hh": b_hh,
            "W_self": W_self, "W_neigh": W_neigh, "prelu_a": prelu_a}


def reference(feat, edge_index, user, last_nodes, W_ih, W_hh, b_ih, b_hh, W_self, W_neigh, prelu_a):
    # DGL update_all(copy_u('ft','m'), GRU-reducer): for each dst node, run a GRU
    # over the sequence of its in-neighbor source features (ordered by edge id);
    # 'neigh' = final GRU hidden state (zeros for in-degree-0 nodes).
    # feat_drop is identity in eval mode.
    N, Dm = feat.shape
    src, dst = edge_index[0], edge_index[1]
    deg = jnp.bincount(dst, length=N)
    order = jnp.argsort(dst)  # stable sort: preserves edge-id order within each dst
    src_s = src[order]
    dst_s = dst[order]
    starts = jnp.cumsum(deg) - deg
    max_deg = jnp.max(deg)
    E = src_s.shape[0]
    h0 = jnp.zeros((N, Dm), feat.dtype)

    def _cond(carry):
        t, _ = carry
        return t < max_deg

    def _body(carry):
        t, h = carry
        idx = jnp.clip(starts + t, 0, E - 1)
        x = feat[src_s[idx]]
        h_new = _gru_cell(x, h, W_ih, W_hh, b_ih, b_hh)
        h = jnp.where((deg > t)[:, None], h_new, h)
        return t + 1, h

    t0 = jnp.zeros((), deg.dtype)
    _, h = jax.lax.while_loop(_cond, _body, (t0, h0))
    neigh = h
    rst = feat @ W_self.T + neigh @ W_neigh.T
    # PReLU with per-channel slope
    rst = jnp.where(rst >= 0, rst, prelu_a[None, :] * rst)
    return rst

if __name__ == "__main__":
    import jax
    _d = setup_inputs()
    print(jax.jit(kernel)(*tuple(_d.values())))

</pallas_src>

<mosaic_0001>
#map = affine_map<(d0, d1) -> (0, 0)>
#map1 = affine_map<(d0, d1) -> (0)>
module attributes {stable_mosaic.version = 14 : i64} {
  func.func @gath(%arg0: i32, %arg1: i32, %arg2: memref<12288x128xf32, #tpu.memory_space<hbm>>, %arg3: memref<12288xi32, #tpu.memory_space<hbm>>, %arg4: memref<12288x128xf32, #tpu.memory_space<hbm>>, %arg5: memref<384xi32, #tpu.memory_space<vmem>>, %arg6: memref<4x128x128xf32, #tpu.memory_space<vmem>>, %arg7: memref<4x!tpu.dma_semaphore, #tpu.memory_space<semaphore_mem>>, %arg8: memref<4x!tpu.dma_semaphore, #tpu.memory_space<semaphore_mem>>) attributes {dimension_semantics = [#tpu.dimension_semantics<core_parallel>, #tpu.dimension_semantics<subcore_parallel>], iteration_bounds = array<i64: 2, 16>, scalar_prefetch = 0 : i64, scratch_operands = 4 : i64, tpu.core_type = #tpu.core_type<sc_vector_subcore>, window_params = [{transform_indices = #map}, {transform_indices = #map1}, {transform_indices = #map}]} {
    %mul3A = arith.constant 16 : i32
    %mul3A_0 = arith.muli %arg0, %mul3A : i32
    %add3A = arith.addi %mul3A_0, %arg1 : i32
    %mul3A_1 = arith.constant 3 : i32
    %mul3A_2 = arith.muli %add3A, %mul3A_1 : i32
    %mul3A_3 = arith.constant 128 : i32
    %mul3A_4 = arith.muli %mul3A_2, %mul3A_3 : i32
    "tpu.region"() ({
      %run_scoped3A = tpu.sem_alloc : memref<!tpu.dma_semaphore, #tpu.memory_space<semaphore_mem>>
      %dma_start3A_96 = tpu.memref_slice %arg3[%mul3A_4] : memref<12288xi32, #tpu.memory_space<hbm>> -> memref<384xi32, #tpu.memory_space<hbm>>
      %dma_start3A_97 = tpu.memref_slice %arg3[%mul3A_4] : memref<12288xi32, #tpu.memory_space<hbm>> -> memref<384xi32, #tpu.memory_space<hbm>>
      tpu.enqueue_dma source(%dma_start3A_97 : memref<384xi32, #tpu.memory_space<hbm>>) target(%arg5 : memref<384xi32, #tpu.memory_space<vmem>>) target_semaphore(%run_scoped3A : memref<!tpu.dma_semaphore, #tpu.memory_space<semaphore_mem>>)
      %dma_wait3A_98 = tpu.memref_slice %arg3[%mul3A_4] : memref<12288xi32, #tpu.memory_space<hbm>> -> memref<384xi32, #tpu.memory_space<hbm>>
      %dma_wait3A_99 = tpu.memref_slice %arg3[%mul3A_4] : memref<12288xi32, #tpu.memory_space<hbm>> -> memref<384xi32, #tpu.memory_space<hbm>>
      tpu.wait_dma2 semaphore(%run_scoped3A : memref<!tpu.dma_semaphore, #tpu.memory_space<semaphore_mem>>) src(%dma_wait3A_99 : memref<384xi32, #tpu.memory_space<hbm>>) dst(%arg5 : memref<384xi32, #tpu.memory_space<vmem>>)
      tpu.yield
    }) : () -> ()
    %dma_start3A = arith.constant 0 : i32
    %dma_start3A_5 = arith.constant 0 : i32
    %dma_start3A_6 = arith.constant 0 : i32
    %dma_start3A_7 = arith.constant 0 : i32
    %dma_start3A_8 = tpu.memref_slice %arg6[%dma_start3A, %dma_start3A_6, %dma_start3A_7] : memref<4x128x128xf32, #tpu.memory_space<vmem>> -> memref<1x128x128xf32, #tpu.memory_space<vmem>>
    %dma_start3A_9 = tpu.memref_squeeze %dma_start3A_8 : memref<1x128x128xf32, #tpu.memory_space<vmem>> -> memref<128x128xf32, #tpu.memory_space<vmem>>
    %dma_start3A_10 = arith.constant 0 : i32
    %dma_start3A_11 = tpu.memref_slice %arg5[%dma_start3A_10] : memref<384xi32, #tpu.memory_space<vmem>> -> memref<128xi32, #tpu.memory_space<vmem>>
    %dma_start3A_12 = arith.constant 0 : i32
    %dma_start3A_13 = arith.constant 0 : i32
    %dma_start3A_14 = tpu.memref_slice %arg2[%dma_start3A_12, %dma_start3A_13] : memref<12288x128xf32, #tpu.memory_space<hbm>> -> memref<12288x128xf32, #tpu.memory_space<hbm>>
    %dma_start3A_15 = tpu.memref_slice %arg7[%dma_start3A_5] : memref<4x!tpu.dma_semaphore, #tpu.memory_space<semaphore_mem>> -> memref<1x!tpu.dma_semaphore, #tpu.memory_space<semaphore_mem>>
    %dma_start3A_16 = tpu.memref_squeeze %dma_start3A_15 : memref<1x!tpu.dma_semaphore, #tpu.memory_space<semaphore_mem>> -> memref<!tpu.dma_semaphore, #tpu.memory_space<semaphore_mem>>
    tpu.enqueue_indirect_dma source(%dma_start3A_14 : memref<12288x128xf32, #tpu.memory_space<hbm>>) target(%dma_start3A_9 : memref<128x128xf32, #tpu.memory_space<vmem>>) offsets(%dma_start3A_11 : memref<128xi32, #tpu.memory_space<vmem>>) semaphore(%dma_start3A_16 : memref<!tpu.dma_semaphore, #tpu.memory_space<semaphore_mem>>)
    %dma_start3A_17 = arith.constant 1 : i32
    %dma_start3A_18 = arith.constant 1 : i32
    %dma_start3A_19 = arith.constant 0 : i32
    %dma_start3A_20 = arith.constant 0 : i32
    %dma_start3A_21 = tpu.memref_slice %arg6[%dma_start3A_17, %dma_start3A_19, %dma_start3A_20] : memref<4x128x128xf32, #tpu.memory_space<vmem>> -> memref<1x128x128xf32, #tpu.memory_space<vmem>>
    %dma_start3A_22 = tpu.memref_squeeze %dma_start3A_21 : memref<1x128x128xf32, #tpu.memory_space<vmem>> -> memref<128x128xf32, #tpu.memory_space<vmem>>
    %dma_start3A_23 = arith.constant 128 : i32
    %dma_start3A_24 = tpu.memref_slice %arg5[%dma_start3A_23] : memref<384xi32, #tpu.memory_space<vmem>> -> memref<128xi32, #tpu.memory_space<vmem>>
    %dma_start3A_25 = arith.constant 0 : i32
    %dma_start3A_26 = arith.constant 0 : i32
    %dma_start3A_27 = tpu.memref_slice %arg2[%dma_start3A_25, %dma_start3A_26] : memref<12288x128xf32, #tpu.memory_space<hbm>> -> memref<12288x128xf32, #tpu.memory_space<hbm>>
    %dma_start3A_28 = tpu.memref_slice %arg7[%dma_start3A_18] : memref<4x!tpu.dma_semaphore, #tpu.memory_space<semaphore_mem>> -> memref<1x!tpu.dma_semaphore, #tpu.memory_space<semaphore_mem>>
    %dma_start3A_29 = tpu.memref_squeeze %dma_start3A_28 : memref<1x!tpu.dma_semaphore, #tpu.memory_space<semaphore_mem>> -> memref<!tpu.dma_semaphore, #tpu.memory_space<semaphore_mem>>
    tpu.enqueue_indirect_dma source(%dma_start3A_27 : memref<12288x128xf32, #tpu.memory_space<hbm>>) target(%dma_start3A_22 : memref<128x128xf32, #tpu.memory_space<vmem>>) offsets(%dma_start3A_24 : memref<128xi32, #tpu.memory_space<vmem>>) semaphore(%dma_start3A_29 : memref<!tpu.dma_semaphore, #tpu.memory_space<semaphore_mem>>)
    %dma_start3A_30 = arith.constant 2 : i32
    %dma_start3A_31 = arith.constant 2 : i32
    %dma_start3A_32 = arith.constant 0 : i32
    %dma_start3A_33 = arith.constant 0 : i32
    %dma_start3A_34 = tpu.memref_slice %arg6[%dma_start3A_30, %dma_start3A_32, %dma_start3A_33] : memref<4x128x128xf32, #tpu.memory_space<vmem>> -> memref<1x128x128xf32, #tpu.memory_space<vmem>>
    %dma_start3A_35 = tpu.memref_squeeze %dma_start3A_34 : memref<1x128x128xf32, #tpu.memory_space<vmem>> -> memref<128x128xf32, #tpu.memory_space<vmem>>
    %dma_start3A_36 = arith.constant 256 : i32
    %dma_start3A_37 = tpu.memref_slice %arg5[%dma_start3A_36] : memref<384xi32, #tpu.memory_space<vmem>> -> memref<128xi32, #tpu.memory_space<vmem>>
    %dma_start3A_38 = arith.constant 0 : i32
    %dma_start3A_39 = arith.constant 0 : i32
    %dma_start3A_40 = tpu.memref_slice %arg2[%dma_start3A_38, %dma_start3A_39] : memref<12288x128xf32, #tpu.memory_space<hbm>> -> memref<12288x128xf32, #tpu.memory_space<hbm>>
    %dma_start3A_41 = tpu.memref_slice %arg7[%dma_start3A_31] : memref<4x!tpu.dma_semaphore, #tpu.memory_space<semaphore_mem>> -> memref<1x!tpu.dma_semaphore, #tpu.memory_space<semaphore_mem>>
    %dma_start3A_42 = tpu.memref_squeeze %dma_start3A_41 : memref<1x!tpu.dma_semaphore, #tpu.memory_space<semaphore_mem>> -> memref<!tpu.dma_semaphore, #tpu.memory_space<semaphore_mem>>
    tpu.enqueue_indirect_dma source(%dma_start3A_40 : memref<12288x128xf32, #tpu.memory_space<hbm>>) target(%dma_start3A_35 : memref<128x128xf32, #tpu.memory_space<vmem>>) offsets(%dma_start3A_37 : memref<128xi32, #tpu.memory_space<vmem>>) semaphore(%dma_start3A_42 : memref<!tpu.dma_semaphore, #tpu.memory_space<semaphore_mem>>)
    %scan3A = arith.constant 0 : i32
    %scan3A_43 = arith.constant 0 : i32
    %scan3A_44 = arith.constant 3 : i32
    %scan3A_45 = arith.addi %scan3A_43, %scan3A_44 : i32
    %scan3A_46 = arith.constant 1 : i32
    %scan3A_47 = scf.for %scan3A_96 = %scan3A_43 to %scan3A_45 step %scan3A_46 iter_args(%scan3A_97 = %scan3A) -> (i32)  : i32 {
      %jit3A = arith.constant 4 : i32
      %eq3A = arith.constant 0 : i32
      %eq3A_98 = arith.cmpi eq, %jit3A, %eq3A : i32
      %jit3A_99 = arith.constant 1 : i32
      %select_n3A = arith.select %eq3A_98, %jit3A_99, %jit3A : i32
      %rem3A = arith.remsi %scan3A_96, %select_n3A : i32
      %ne3A = arith.constant 0 : i32
      %ne3A_100 = arith.cmpi ne, %rem3A, %ne3A : i32
      %lt3A = arith.constant 0 : i32
      %lt3A_101 = arith.cmpi slt, %rem3A, %lt3A : i32
      %lt3A_102 = arith.constant 0 : i32
      %lt3A_103 = arith.cmpi slt, %select_n3A, %lt3A_102 : i32
      %ne3A_104 = arith.xori %lt3A_101, %lt3A_103 : i1
      %and3A = arith.andi %ne3A_104, %ne3A_100 : i1
      %add3A_105 = arith.addi %rem3A, %select_n3A : i32
      %select_n3A_106 = arith.select %and3A, %add3A_105, %rem3A : i32
      %dma_wait3A_107 = arith.constant 0 : i32
      %dma_wait3A_108 = arith.constant 0 : i32
      %dma_wait3A_109 = tpu.memref_slice %arg6[%select_n3A_106, %dma_wait3A_107, %dma_wait3A_108] : memref<4x128x128xf32, #tpu.memory_space<vmem>> -> memref<1x128x128xf32, #tpu.memory_space<vmem>>
      %dma_wait3A_110 = tpu.memref_squeeze %dma_wait3A_109 : memref<1x128x128xf32, #tpu.memory_space<vmem>> -> memref<128x128xf32, #tpu.memory_space<vmem>>
      %dma_wait3A_111 = arith.constant 0 : i32
      %dma_wait3A_112 = tpu.memref_slice %arg5[%dma_wait3A_111] : memref<384xi32, #tpu.memory_space<vmem>> -> memref<128xi32, #tpu.memory_space<vmem>>
      %dma_wait3A_113 = arith.constant 0 : i32
      %dma_wait3A_114 = arith.constant 0 : i32
      %dma_wait3A_115 = tpu.memref_slice %arg2[%dma_wait3A_113, %dma_wait3A_114] : memref<12288x128xf32, #tpu.memory_space<hbm>> -> memref<12288x128xf32, #tpu.memory_space<hbm>>
      %dma_wait3A_116 = tpu.memref_slice %arg7[%select_n3A_106] : memref<4x!tpu.dma_semaphore, #tpu.memory_space<semaphore_mem>> -> memref<1x!tpu.dma_semaphore, #tpu.memory_space<semaphore_mem>>
      %dma_wait3A_117 = tpu.memref_squeeze %dma_wait3A_116 : memref<1x!tpu.dma_semaphore, #tpu.memory_space<semaphore_mem>> -> memref<!tpu.dma_semaphore, #tpu.memory_space<semaphore_mem>>
      tpu.wait_indirect_dma semaphore(%dma_wait3A_117 : memref<!tpu.dma_semaphore, #tpu.memory_space<semaphore_mem>>) src(%dma_wait3A_115 : memref<12288x128xf32, #tpu.memory_space<hbm>>) dst(%dma_wait3A_110 : memref<128x128xf32, #tpu.memory_space<vmem>>)
      %mul3A_118 = arith.constant 128 : i32
      %mul3A_119 = arith.muli %scan3A_96, %mul3A_118 : i32
      %add3A_120 = arith.addi %mul3A_4, %mul3A_119 : i32
      %dma_start3A_121 = arith.constant 0 : i32
      %dma_start3A_122 = arith.constant 0 : i32
      %dma_start3A_123 = tpu.memref_slice %arg6[%select_n3A_106, %dma_start3A_121, %dma_start3A_122] : memref<4x128x128xf32, #tpu.memory_space<vmem>> -> memref<1x128x128xf32, #tpu.memory_space<vmem>>
      %dma_start3A_124 = tpu.memref_squeeze %dma_start3A_123 : memref<1x128x128xf32, #tpu.memory_space<vmem>> -> memref<128x128xf32, #tpu.memory_space<vmem>>
      %dma_start3A_125 = arith.constant 0 : i32
      %dma_start3A_126 = tpu.memref_slice %arg4[%add3A_120, %dma_start3A_125] : memref<12288x128xf32, #tpu.memory_space<hbm>> -> memref<128x128xf32, #tpu.memory_space<hbm>>
      %dma_start3A_127 = tpu.memref_slice %arg8[%select_n3A_106] : memref<4x!tpu.dma_semaphore, #tpu.memory_space<semaphore_mem>> -> memref<1x!tpu.dma_semaphore, #tpu.memory_space<semaphore_mem>>
      %dma_start3A_128 = tpu.memref_squeeze %dma_start3A_127 : memref<1x!tpu.dma_semaphore, #tpu.memory_space<semaphore_mem>> -> memref<!tpu.dma_semaphore, #tpu.memory_space<semaphore_mem>>
      %dma_start3A_129 = arith.constant 0 : i32
      %dma_start3A_130 = tpu.memref_slice %arg4[%add3A_120, %dma_start3A_129] : memref<12288x128xf32, #tpu.memory_space<hbm>> -> memref<128x128xf32, #tpu.memory_space<hbm>>
      %dma_start3A_131 = arith.constant 0 : i32
      %dma_start3A_132 = arith.constant 0 : i32
      %dma_start3A_133 = tpu.memref_slice %arg6[%select_n3A_106, %dma_start3A_131, %dma_start3A_132] : memref<4x128x128xf32, #tpu.memory_space<vmem>> -> memref<1x128x128xf32, #tpu.memory_space<vmem>>
      %dma_start3A_134 = tpu.memref_squeeze %dma_start3A_133 : memref<1x128x128xf32, #tpu.memory_space<vmem>> -> memref<128x128xf32, #tpu.memory_space<vmem>>
      tpu.enqueue_dma source(%dma_start3A_134 : memref<128x128xf32, #tpu.memory_space<vmem>>) target(%dma_start3A_130 : memref<128x128xf32, #tpu.memory_space<hbm>>) target_semaphore(%dma_start3A_128 : memref<!tpu.dma_semaphore, #tpu.memory_space<semaphore_mem>>)
      %add3A_135 = arith.constant 4 : i32
      %add3A_136 = arith.addi %scan3A_96, %add3A_135 : i32
      %sub3A = arith.constant 1 : i32
      %sub3A_137 = arith.subi %add3A_136, %sub3A : i32
      %lt3A_138 = arith.constant 3 : i32
      %lt3A_139 = arith.cmpi slt, %sub3A_137, %lt3A_138 : i32
      %ge3A = arith.constant 1 : i32
      %ge3A_140 = arith.cmpi sge, %scan3A_96, %ge3A : i32
      %and3A_141 = arith.andi %lt3A_139, %ge3A_140 : i1
      %convert_element_type3A = arith.extui %and3A_141 : i1 to i32
      %cond3A = arith.constant 0 : i32
      %cond3A_142 = arith.cmpi ne, %convert_element_type3A, %cond3A : i32
      scf.if %cond3A_142 {
        %sub3A_149 = arith.constant 1 : i32
        %sub3A_150 = arith.subi %scan3A_96, %sub3A_149 : i32
        %jit3A_151 = arith.constant 4 : i32
        %eq3A_152 = arith.constant 0 : i32
        %eq3A_153 = arith.cmpi eq, %jit3A_151, %eq3A_152 : i32
        %jit3A_154 = arith.constant 1 : i32
        %select_n3A_155 = arith.select %eq3A_153, %jit3A_154, %jit3A_151 : i32
        %rem3A_156 = arith.remsi %sub3A_150, %select_n3A_155 : i32
        %ne3A_157 = arith.constant 0 : i32
        %ne3A_158 = arith.cmpi ne, %rem3A_156, %ne3A_157 : i32
        %lt3A_159 = arith.constant 0 : i32
        %lt3A_160 = arith.cmpi slt, %rem3A_156, %lt3A_159 : i32
        %lt3A_161 = arith.constant 0 : i32
        %lt3A_162 = arith.cmpi slt, %select_n3A_155, %lt3A_161 : i32
        %ne3A_163 = arith.xori %lt3A_160, %lt3A_162 : i1
        %and3A_164 = arith.andi %ne3A_163, %ne3A_158 : i1
        %add3A_165 = arith.addi %rem3A_156, %select_n3A_155 : i32
        %select_n3A_166 = arith.select %and3A_164, %add3A_165, %rem3A_156 : i32
        %sub3A_167 = arith.constant 1 : i32
        %sub3A_168 = arith.subi %scan3A_96, %sub3A_167 : i32
        %jit3A_169 = arith.constant 4 : i32
        %eq3A_170 = arith.constant 0 : i32
        %eq3A_171 = arith.cmpi eq, %jit3A_169, %eq3A_170 : i32
        %jit3A_172 = arith.constant 1 : i32
        %select_n3A_173 = arith.select %eq3A_171, %jit3A_172, %jit3A_169 : i32
        %rem3A_174 = arith.remsi %sub3A_168, %select_n3A_173 : i32
        %ne3A_175 = arith.constant 0 : i32
        %ne3A_176 = arith.cmpi ne, %rem3A_174, %ne3A_175 : i32
        %lt3A_177 = arith.constant 0 : i32
        %lt3A_178 = arith.cmpi slt, %rem3A_174, %lt3A_177 : i32
        %lt3A_179 = arith.constant 0 : i32
        %lt3A_180 = arith.cmpi slt, %select_n3A_173, %lt3A_179 : i32
        %ne3A_181 = arith.xori %lt3A_178, %lt3A_180 : i1
        %and3A_182 = arith.andi %ne3A_181, %ne3A_176 : i1
        %add3A_183 = arith.addi %rem3A_174, %select_n3A_173 : i32
        %select_n3A_184 = arith.select %and3A_182, %add3A_183, %rem3A_174 : i32
        %dma_wait3A_185 = arith.constant 0 : i32
        %dma_wait3A_186 = arith.constant 0 : i32
        %dma_wait3A_187 = tpu.memref_slice %arg6[%select_n3A_166, %dma_wait3A_185, %dma_wait3A_186] : memref<4x128x128xf32, #tpu.memory_space<vmem>> -> memref<1x128x128xf32, #tpu.memory_space<vmem>>
        %dma_wait3A_188 = tpu.memref_squeeze %dma_wait3A_187 : memref<1x128x128xf32, #tpu.memory_space<vmem>> -> memref<128x128xf32, #tpu.memory_space<vmem>>
        %dma_wait3A_189 = arith.constant 0 : i32
        %dma_wait3A_190 = tpu.memref_slice %arg4[%mul3A_4, %dma_wait3A_189] : memref<12288x128xf32, #tpu.memory_space<hbm>> -> memref<128x128xf32, #tpu.memory_space<hbm>>
        %dma_wait3A_191 = tpu.memref_slice %arg8[%select_n3A_184] : memref<4x!tpu.dma_semaphore, #tpu.memory_space<semaphore_mem>> -> memref<1x!tpu.dma_semaphore, #tpu.memory_space<semaphore_mem>>
        %dma_wait3A_192 = tpu.memref_squeeze %dma_wait3A_191 : memref<1x!tpu.dma_semaphore, #tpu.memory_space<semaphore_mem>> -> memref<!tpu.dma_semaphore, #tpu.memory_space<semaphore_mem>>
        %dma_wait3A_193 = arith.constant 0 : i32
        %dma_wait3A_194 = tpu.memref_slice %arg4[%mul3A_4, %dma_wait3A_193] : memref<12288x128xf32, #tpu.memory_space<hbm>> -> memref<128x128xf32, #tpu.memory_space<hbm>>
        %dma_wait3A_195 = arith.constant 0 : i32
        %dma_wait3A_196 = arith.constant 0 : i32
        %dma_wait3A_197 = tpu.memref_slice %arg6[%select_n3A_166, %dma_wait3A_195, %dma_wait3A_196] : memref<4x128x128xf32, #tpu.memory_space<vmem>> -> memref<1x128x128xf32, #tpu.memory_space<vmem>>
        %dma_wait3A_198 = tpu.memref_squeeze %dma_wait3A_197 : memref<1x128x128xf32, #tpu.memory_space<vmem>> -> memref<128x128xf32, #tpu.memory_space<vmem>>
        tpu.wait_dma2 semaphore(%dma_wait3A_192 : memref<!tpu.dma_semaphore, #tpu.memory_space<semaphore_mem>>) src(%dma_wait3A_198 : memref<128x128xf32, #tpu.memory_space<vmem>>) dst(%dma_wait3A_194 : memref<128x128xf32, #tpu.memory_space<hbm>>)
      } else {
      }
      %lt3A_143 = arith.constant 3 : i32
      %lt3A_144 = arith.cmpi slt, %sub3A_137, %lt3A_143 : i32
      %convert_element_type3A_145 = arith.extui %lt3A_144 : i1 to i32
      %cond3A_146 = arith.constant 0 : i32
      %cond3A_147 = arith.cmpi ne, %convert_element_type3A_145, %cond3A_146 : i32
      scf.if %cond3A_147 {
        %jit3A_149 = arith.constant 4 : i32
        %eq3A_150 = arith.constant 0 : i32
        %eq3A_151 = arith.cmpi eq, %jit3A_149, %eq3A_150 : i32
        %jit3A_152 = arith.constant 1 : i32
        %select_n3A_153 = arith.select %eq3A_151, %jit3A_152, %jit3A_149 : i32
        %rem3A_154 = arith.remsi %sub3A_137, %select_n3A_153 : i32
        %ne3A_155 = arith.constant 0 : i32
        %ne3A_156 = arith.cmpi ne, %rem3A_154, %ne3A_155 : i32
        %lt3A_157 = arith.constant 0 : i32
        %lt3A_158 = arith.cmpi slt, %rem3A_154, %lt3A_157 : i32
        %lt3A_159 = arith.constant 0 : i32
        %lt3A_160 = arith.cmpi slt, %select_n3A_153, %lt3A_159 : i32
        %ne3A_161 = arith.xori %lt3A_158, %lt3A_160 : i1
        %and3A_162 = arith.andi %ne3A_161, %ne3A_156 : i1
        %add3A_163 = arith.addi %rem3A_154, %select_n3A_153 : i32
        %select_n3A_164 = arith.select %and3A_162, %add3A_163, %rem3A_154 : i32
        %mul3A_165 = arith.constant 128 : i32
        %mul3A_166 = arith.muli %sub3A_137, %mul3A_165 : i32
        %dma_start3A_167 = arith.constant 0 : i32
        %dma_start3A_168 = arith.constant 0 : i32
        %dma_start3A_169 = tpu.memref_slice %arg6[%select_n3A_164, %dma_start3A_167, %dma_start3A_168] : memref<4x128x128xf32, #tpu.memory_space<vmem>> -> memref<1x128x128xf32, #tpu.memory_space<vmem>>
        %dma_start3A_170 = tpu.memref_squeeze %dma_start3A_169 : memref<1x128x128xf32, #tpu.memory_space<vmem>> -> memref<128x128xf32, #tpu.memory_space<vmem>>
        %dma_start3A_171 = tpu.memref_slice %arg5[%mul3A_166] : memref<384xi32, #tpu.memory_space<vmem>> -> memref<128xi32, #tpu.memory_space<vmem>>
        %dma_start3A_172 = arith.constant 0 : i32
        %dma_start3A_173 = arith.constant 0 : i32
        %dma_start3A_174 = tpu.memref_slice %arg2[%dma_start3A_172, %dma_start3A_173] : memref<12288x128xf32, #tpu.memory_space<hbm>> -> memref<12288x128xf32, #tpu.memory_space<hbm>>
        %dma_start3A_175 = tpu.memref_slice %arg7[%select_n3A_164] : memref<4x!tpu.dma_semaphore, #tpu.memory_space<semaphore_mem>> -> memref<1x!tpu.dma_semaphore, #tpu.memory_space<semaphore_mem>>
        %dma_start3A_176 = tpu.memref_squeeze %dma_start3A_175 : memref<1x!tpu.dma_semaphore, #tpu.memory_space<semaphore_mem>> -> memref<!tpu.dma_semaphore, #tpu.memory_space<semaphore_mem>>
        tpu.enqueue_indirect_dma source(%dma_start3A_174 : memref<12288x128xf32, #tpu.memory_space<hbm>>) target(%dma_start3A_170 : memref<128x128xf32, #tpu.memory_space<vmem>>) offsets(%dma_start3A_171 : memref<128xi32, #tpu.memory_space<vmem>>) semaphore(%dma_start3A_176 : memref<!tpu.dma_semaphore, #tpu.memory_space<semaphore_mem>>)
      } else {
      }
      %scan3A_148 = arith.constant 0 : i32
      scf.yield %scan3A_148 : i32
    }
    %scan3A_48 = arith.constant 3 : i32
    %dma_wait3A = arith.constant 2 : i32
    %dma_wait3A_49 = arith.constant 2 : i32
    %dma_wait3A_50 = arith.constant 0 : i32
    %dma_wait3A_51 = arith.constant 0 : i32
    %dma_wait3A_52 = tpu.memref_slice %arg6[%dma_wait3A, %dma_wait3A_50, %dma_wait3A_51] : memref<4x128x128xf32, #tpu.memory_space<vmem>> -> memref<1x128x128xf32, #tpu.memory_space<vmem>>
    %dma_wait3A_53 = tpu.memref_squeeze %dma_wait3A_52 : memref<1x128x128xf32, #tpu.memory_space<vmem>> -> memref<128x128xf32, #tpu.memory_space<vmem>>
    %dma_wait3A_54 = arith.constant 0 : i32
    %dma_wait3A_55 = tpu.memref_slice %arg4[%mul3A_4, %dma_wait3A_54] : memref<12288x128xf32, #tpu.memory_space<hbm>> -> memref<128x128xf32, #tpu.memory_space<hbm>>
    %dma_wait3A_56 = tpu.memref_slice %arg8[%dma_wait3A_49] : memref<4x!tpu.dma_semaphore, #tpu.memory_space<semaphore_mem>> -> memref<1x!tpu.dma_semaphore, #tpu.memory_space<semaphore_mem>>
    %dma_wait3A_57 = tpu.memref_squeeze %dma_wait3A_56 : memref<1x!tpu.dma_semaphore, #tpu.memory_space<semaphore_mem>> -> memref<!tpu.dma_semaphore, #tpu.memory_space<semaphore_mem>>
    %dma_wait3A_58 = arith.constant 0 : i32
    %dma_wait3A_59 = tpu.memref_slice %arg4[%mul3A_4, %dma_wait3A_58] : memref<12288x128xf32, #tpu.memory_space<hbm>> -> memref<128x128xf32, #tpu.memory_space<hbm>>
    %dma_wait3A_60 = arith.constant 0 : i32
    %dma_wait3A_61 = arith.constant 0 : i32
    %dma_wait3A_62 = tpu.memref_slice %arg6[%dma_wait3A, %dma_wait3A_60, %dma_wait3A_61] : memref<4x128x128xf32, #tpu.memory_space<vmem>> -> memref<1x128x128xf32, #tpu.memory_space<vmem>>
    %dma_wait3A_63 = tpu.memref_squeeze %dma_wait3A_62 : memref<1x128x128xf32, #tpu.memory_space<vmem>> -> memref<128x128xf32, #tpu.memory_space<vmem>>
    tpu.wait_dma2 semaphore(%dma_wait3A_57 : memref<!tpu.dma_semaphore, #tpu.memory_space<semaphore_mem>>) src(%dma_wait3A_63 : memref<128x128xf32, #tpu.memory_space<vmem>>) dst(%dma_wait3A_59 : memref<128x128xf32, #tpu.memory_space<hbm>>)
    %dma_wait3A_64 = arith.constant 1 : i32
    %dma_wait3A_65 = arith.constant 1 : i32
    %dma_wait3A_66 = arith.constant 0 : i32
    %dma_wait3A_67 = arith.constant 0 : i32
    %dma_wait3A_68 = tpu.memref_slice %arg6[%dma_wait3A_64, %dma_wait3A_66, %dma_wait3A_67] : memref<4x128x128xf32, #tpu.memory_space<vmem>> -> memref<1x128x128xf32, #tpu.memory_space<vmem>>
    %dma_wait3A_69 = tpu.memref_squeeze %dma_wait3A_68 : memref<1x128x128xf32, #tpu.memory_space<vmem>> -> memref<128x128xf32, #tpu.memory_space<vmem>>
    %dma_wait3A_70 = arith.constant 0 : i32
    %dma_wait3A_71 = tpu.memref_slice %arg4[%mul3A_4, %dma_wait3A_70] : memref<12288x128xf32, #tpu.memory_space<hbm>> -> memref<128x128xf32, #tpu.memory_space<hbm>>
    %dma_wait3A_72 = tpu.memref_slice %arg8[%dma_wait3A_65] : memref<4x!tpu.dma_semaphore, #tpu.memory_space<semaphore_mem>> -> memref<1x!tpu.dma_semaphore, #tpu.memory_space<semaphore_mem>>
    %dma_wait3A_73 = tpu.memref_squeeze %dma_wait3A_72 : memref<1x!tpu.dma_semaphore, #tpu.memory_space<semaphore_mem>> -> memref<!tpu.dma_semaphore, #tpu.memory_space<semaphore_mem>>
    %dma_wait3A_74 = arith.constant 0 : i32
    %dma_wait3A_75 = tpu.memref_slice %arg4[%mul3A_4, %dma_wait3A_74] : memref<12288x128xf32, #tpu.memory_space<hbm>> -> memref<128x128xf32, #tpu.memory_space<hbm>>
    %dma_wait3A_76 = arith.constant 0 : i32
    %dma_wait3A_77 = arith.constant 0 : i32
    %dma_wait3A_78 = tpu.memref_slice %arg6[%dma_wait3A_64, %dma_wait3A_76, %dma_wait3A_77] : memref<4x128x128xf32, #tpu.memory_space<vmem>> -> memref<1x128x128xf32, #tpu.memory_space<vmem>>
    %dma_wait3A_79 = tpu.memref_squeeze %dma_wait3A_78 : memref<1x128x128xf32, #tpu.memory_space<vmem>> -> memref<128x128xf32, #tpu.memory_space<vmem>>
    tpu.wait_dma2 semaphore(%dma_wait3A_73 : memref<!tpu.dma_semaphore, #tpu.memory_space<semaphore_mem>>) src(%dma_wait3A_79 : memref<128x128xf32, #tpu.memory_space<vmem>>) dst(%dma_wait3A_75 : memref<128x128xf32, #tpu.memory_space<hbm>>)
    %dma_wait3A_80 = arith.constant 0 : i32
    %dma_wait3A_81 = arith.constant 0 : i32
    %dma_wait3A_82 = arith.constant 0 : i32
    %dma_wait3A_83 = arith.constant 0 : i32
    %dma_wait3A_84 = tpu.memref_slice %arg6[%dma_wait3A_80, %dma_wait3A_82, %dma_wait3A_83] : memref<4x128x128xf32, #tpu.memory_space<vmem>> -> memref<1x128x128xf32, #tpu.memory_space<vmem>>
    %dma_wait3A_85 = tpu.memref_squeeze %dma_wait3A_84 : memref<1x128x128xf32, #tpu.memory_space<vmem>> -> memref<128x128xf32, #tpu.memory_space<vmem>>
    %dma_wait3A_86 = arith.constant 0 : i32
    %dma_wait3A_87 = tpu.memref_slice %arg4[%mul3A_4, %dma_wait3A_86] : memref<12288x128xf32, #tpu.memory_space<hbm>> -> memref<128x128xf32, #tpu.memory_space<hbm>>
    %dma_wait3A_88 = tpu.memref_slice %arg8[%dma_wait3A_81] : memref<4x!tpu.dma_semaphore, #tpu.memory_space<semaphore_mem>> -> memref<1x!tpu.dma_semaphore, #tpu.memory_space<semaphore_mem>>
    %dma_wait3A_89 = tpu.memref_squeeze %dma_wait3A_88 : memref<1x!tpu.dma_semaphore, #tpu.memory_space<semaphore_mem>> -> memref<!tpu.dma_semaphore, #tpu.memory_space<semaphore_mem>>
    %dma_wait3A_90 = arith.constant 0 : i32
    %dma_wait3A_91 = tpu.memref_slice %arg4[%mul3A_4, %dma_wait3A_90] : memref<12288x128xf32, #tpu.memory_space<hbm>> -> memref<128x128xf32, #tpu.memory_space<hbm>>
    %dma_wait3A_92 = arith.constant 0 : i32
    %dma_wait3A_93 = arith.constant 0 : i32
    %dma_wait3A_94 = tpu.memref_slice %arg6[%dma_wait3A_80, %dma_wait3A_92, %dma_wait3A_93] : memref<4x128x128xf32, #tpu.memory_space<vmem>> -> memref<1x128x128xf32, #tpu.memory_space<vmem>>
    %dma_wait3A_95 = tpu.memref_squeeze %dma_wait3A_94 : memref<1x128x128xf32, #tpu.memory_space<vmem>> -> memref<128x128xf32, #tpu.memory_space<vmem>>
    tpu.wait_dma2 semaphore(%dma_wait3A_89 : memref<!tpu.dma_semaphore, #tpu.memory_space<semaphore_mem>>) src(%dma_wait3A_95 : memref<128x128xf32, #tpu.memory_space<vmem>>) dst(%dma_wait3A_91 : memref<128x128xf32, #tpu.memory_space<hbm>>)
    return
  }
}

#map = affine_map<(d0, d1) -> (0, 0)>
#map1 = affine_map<(d0, d1) -> (0)>
module attributes {stable_mosaic.version = 14 : i64} {
  func.func @gath(%arg0: i32, %arg1: i32, %arg2: memref<10000x128xf32, #tpu.memory_space<hbm>>, %arg3: memref<176128xi32, #tpu.memory_space<hbm>>, %arg4: memref<176128x128xf32, #tpu.memory_space<hbm>>, %arg5: memref<5504xi32, #tpu.memory_space<vmem>>, %arg6: memref<4x128x128xf32, #tpu.memory_space<vmem>>, %arg7: memref<4x!tpu.dma_semaphore, #tpu.memory_space<semaphore_mem>>, %arg8: memref<4x!tpu.dma_semaphore, #tpu.memory_space<semaphore_mem>>) attributes {dimension_semantics = [#tpu.dimension_semantics<core_parallel>, #tpu.dimension_semantics<subcore_parallel>], iteration_bounds = array<i64: 2, 16>, scalar_prefetch = 0 : i64, scratch_operands = 4 : i64, tpu.core_type = #tpu.core_type<sc_vector_subcore>, window_params = [{transform_indices = #map}, {transform_indices = #map1}, {transform_indices = #map}]} {
    %mul3A = arith.constant 16 : i32
    %mul3A_0 = arith.muli %arg0, %mul3A : i32
    %add3A = arith.addi %mul3A_0, %arg1 : i32
    %mul3A_1 = arith.constant 43 : i32
    %mul3A_2 = arith.muli %add3A, %mul3A_1 : i32
    %mul3A_3 = arith.constant 128 : i32
    %mul3A_4 = arith.muli %mul3A_2, %mul3A_3 : i32
    "tpu.region"() ({
      %run_scoped3A = tpu.sem_alloc : memref<!tpu.dma_semaphore, #tpu.memory_space<semaphore_mem>>
      %dma_start3A_112 = tpu.memref_slice %arg3[%mul3A_4] : memref<176128xi32, #tpu.memory_space<hbm>> -> memref<5504xi32, #tpu.memory_space<hbm>>
      %dma_start3A_113 = tpu.memref_slice %arg3[%mul3A_4] : memref<176128xi32, #tpu.memory_space<hbm>> -> memref<5504xi32, #tpu.memory_space<hbm>>
      tpu.enqueue_dma source(%dma_start3A_113 : memref<5504xi32, #tpu.memory_space<hbm>>) target(%arg5 : memref<5504xi32, #tpu.memory_space<vmem>>) target_semaphore(%run_scoped3A : memref<!tpu.dma_semaphore, #tpu.memory_space<semaphore_mem>>)
      %dma_wait3A_114 = tpu.memref_slice %arg3[%mul3A_4] : memref<176128xi32, #tpu.memory_space<hbm>> -> memref<5504xi32, #tpu.memory_space<hbm>>
      %dma_wait3A_115 = tpu.memref_slice %arg3[%mul3A_4] : memref<176128xi32, #tpu.memory_space<hbm>> -> memref<5504xi32, #tpu.memory_space<hbm>>
      tpu.wait_dma2 semaphore(%run_scoped3A : memref<!tpu.dma_semaphore, #tpu.memory_space<semaphore_mem>>) src(%dma_wait3A_115 : memref<5504xi32, #tpu.memory_space<hbm>>) dst(%arg5 : memref<5504xi32, #tpu.memory_space<vmem>>)
      tpu.yield
    }) : () -> ()
    %dma_start3A = arith.constant 0 : i32
    %dma_start3A_5 = arith.constant 0 : i32
    %dma_start3A_6 = arith.constant 0 : i32
    %dma_start3A_7 = arith.constant 0 : i32
    %dma_start3A_8 = tpu.memref_slice %arg6[%dma_start3A, %dma_start3A_6, %dma_start3A_7] : memref<4x128x128xf32, #tpu.memory_space<vmem>> -> memref<1x128x128xf32, #tpu.memory_space<vmem>>
    %dma_start3A_9 = tpu.memref_squeeze %dma_start3A_8 : memref<1x128x128xf32, #tpu.memory_space<vmem>> -> memref<128x128xf32, #tpu.memory_space<vmem>>
    %dma_start3A_10 = arith.constant 0 : i32
    %dma_start3A_11 = tpu.memref_slice %arg5[%dma_start3A_10] : memref<5504xi32, #tpu.memory_space<vmem>> -> memref<128xi32, #tpu.memory_space<vmem>>
    %dma_start3A_12 = arith.constant 0 : i32
    %dma_start3A_13 = arith.constant 0 : i32
    %dma_start3A_14 = tpu.memref_slice %arg2[%dma_start3A_12, %dma_start3A_13] : memref<10000x128xf32, #tpu.memory_space<hbm>> -> memref<10000x128xf32, #tpu.memory_space<hbm>>
    %dma_start3A_15 = tpu.memref_slice %arg7[%dma_start3A_5] : memref<4x!tpu.dma_semaphore, #tpu.memory_space<semaphore_mem>> -> memref<1x!tpu.dma_semaphore, #tpu.memory_space<semaphore_mem>>
    %dma_start3A_16 = tpu.memref_squeeze %dma_start3A_15 : memref<1x!tpu.dma_semaphore, #tpu.memory_space<semaphore_mem>> -> memref<!tpu.dma_semaphore, #tpu.memory_space<semaphore_mem>>
    tpu.enqueue_indirect_dma source(%dma_start3A_14 : memref<10000x128xf32, #tpu.memory_space<hbm>>) target(%dma_start3A_9 : memref<128x128xf32, #tpu.memory_space<vmem>>) offsets(%dma_start3A_11 : memref<128xi32, #tpu.memory_space<vmem>>) semaphore(%dma_start3A_16 : memref<!tpu.dma_semaphore, #tpu.memory_space<semaphore_mem>>)
    %dma_start3A_17 = arith.constant 1 : i32
    %dma_start3A_18 = arith.constant 1 : i32
    %dma_start3A_19 = arith.constant 0 : i32
    %dma_start3A_20 = arith.constant 0 : i32
    %dma_start3A_21 = tpu.memref_slice %arg6[%dma_start3A_17, %dma_start3A_19, %dma_start3A_20] : memref<4x128x128xf32, #tpu.memory_space<vmem>> -> memref<1x128x128xf32, #tpu.memory_space<vmem>>
    %dma_start3A_22 = tpu.memref_squeeze %dma_start3A_21 : memref<1x128x128xf32, #tpu.memory_space<vmem>> -> memref<128x128xf32, #tpu.memory_space<vmem>>
    %dma_start3A_23 = arith.constant 128 : i32
    %dma_start3A_24 = tpu.memref_slice %arg5[%dma_start3A_23] : memref<5504xi32, #tpu.memory_space<vmem>> -> memref<128xi32, #tpu.memory_space<vmem>>
    %dma_start3A_25 = arith.constant 0 : i32
    %dma_start3A_26 = arith.constant 0 : i32
    %dma_start3A_27 = tpu.memref_slice %arg2[%dma_start3A_25, %dma_start3A_26] : memref<10000x128xf32, #tpu.memory_space<hbm>> -> memref<10000x128xf32, #tpu.memory_space<hbm>>
    %dma_start3A_28 = tpu.memref_slice %arg7[%dma_start3A_18] : memref<4x!tpu.dma_semaphore, #tpu.memory_space<semaphore_mem>> -> memref<1x!tpu.dma_semaphore, #tpu.memory_space<semaphore_mem>>
    %dma_start3A_29 = tpu.memref_squeeze %dma_start3A_28 : memref<1x!tpu.dma_semaphore, #tpu.memory_space<semaphore_mem>> -> memref<!tpu.dma_semaphore, #tpu.memory_space<semaphore_mem>>
    tpu.enqueue_indirect_dma source(%dma_start3A_27 : memref<10000x128xf32, #tpu.memory_space<hbm>>) target(%dma_start3A_22 : memref<128x128xf32, #tpu.memory_space<vmem>>) offsets(%dma_start3A_24 : memref<128xi32, #tpu.memory_space<vmem>>) semaphore(%dma_start3A_29 : memref<!tpu.dma_semaphore, #tpu.memory_space<semaphore_mem>>)
    %dma_start3A_30 = arith.constant 2 : i32
    %dma_start3A_31 = arith.constant 2 : i32
    %dma_start3A_32 = arith.constant 0 : i32
    %dma_start3A_33 = arith.constant 0 : i32
    %dma_start3A_34 = tpu.memref_slice %arg6[%dma_start3A_30, %dma_start3A_32, %dma_start3A_33] : memref<4x128x128xf32, #tpu.memory_space<vmem>> -> memref<1x128x128xf32, #tpu.memory_space<vmem>>
    %dma_start3A_35 = tpu.memref_squeeze %dma_start3A_34 : memref<1x128x128xf32, #tpu.memory_space<vmem>> -> memref<128x128xf32, #tpu.memory_space<vmem>>
    %dma_start3A_36 = arith.constant 256 : i32
    %dma_start3A_37 = tpu.memref_slice %arg5[%dma_start3A_36] : memref<5504xi32, #tpu.memory_space<vmem>> -> memref<128xi32, #tpu.memory_space<vmem>>
    %dma_start3A_38 = arith.constant 0 : i32
    %dma_start3A_39 = arith.constant 0 : i32
    %dma_start3A_40 = tpu.memref_slice %arg2[%dma_start3A_38, %dma_start3A_39] : memref<10000x128xf32, #tpu.memory_space<hbm>> -> memref<10000x128xf32, #tpu.memory_space<hbm>>
    %dma_start3A_41 = tpu.memref_slice %arg7[%dma_start3A_31] : memref<4x!tpu.dma_semaphore, #tpu.memory_space<semaphore_mem>> -> memref<1x!tpu.dma_semaphore, #tpu.memory_space<semaphore_mem>>
    %dma_start3A_42 = tpu.memref_squeeze %dma_start3A_41 : memref<1x!tpu.dma_semaphore, #tpu.memory_space<semaphore_mem>> -> memref<!tpu.dma_semaphore, #tpu.memory_space<semaphore_mem>>
    tpu.enqueue_indirect_dma source(%dma_start3A_40 : memref<10000x128xf32, #tpu.memory_space<hbm>>) target(%dma_start3A_35 : memref<128x128xf32, #tpu.memory_space<vmem>>) offsets(%dma_start3A_37 : memref<128xi32, #tpu.memory_space<vmem>>) semaphore(%dma_start3A_42 : memref<!tpu.dma_semaphore, #tpu.memory_space<semaphore_mem>>)
    %scan3A = arith.constant 0 : i32
    %scan3A_43 = arith.constant 0 : i32
    %scan3A_44 = arith.constant 43 : i32
    %scan3A_45 = arith.addi %scan3A_43, %scan3A_44 : i32
    %scan3A_46 = arith.constant 1 : i32
    %scan3A_47 = scf.for %scan3A_112 = %scan3A_43 to %scan3A_45 step %scan3A_46 iter_args(%scan3A_113 = %scan3A) -> (i32)  : i32 {
      %jit3A = arith.constant 4 : i32
      %eq3A = arith.constant 0 : i32
      %eq3A_114 = arith.cmpi eq, %jit3A, %eq3A : i32
      %jit3A_115 = arith.constant 1 : i32
      %select_n3A = arith.select %eq3A_114, %jit3A_115, %jit3A : i32
      %rem3A = arith.remsi %scan3A_112, %select_n3A : i32
      %ne3A = arith.constant 0 : i32
      %ne3A_116 = arith.cmpi ne, %rem3A, %ne3A : i32
      %lt3A = arith.constant 0 : i32
      %lt3A_117 = arith.cmpi slt, %rem3A, %lt3A : i32
      %lt3A_118 = arith.constant 0 : i32
      %lt3A_119 = arith.cmpi slt, %select_n3A, %lt3A_118 : i32
      %ne3A_120 = arith.xori %lt3A_117, %lt3A_119 : i1
      %and3A = arith.andi %ne3A_120, %ne3A_116 : i1
      %add3A_121 = arith.addi %rem3A, %select_n3A : i32
      %select_n3A_122 = arith.select %and3A, %add3A_121, %rem3A : i32
      %dma_wait3A_123 = arith.constant 0 : i32
      %dma_wait3A_124 = arith.constant 0 : i32
      %dma_wait3A_125 = tpu.memref_slice %arg6[%select_n3A_122, %dma_wait3A_123, %dma_wait3A_124] : memref<4x128x128xf32, #tpu.memory_space<vmem>> -> memref<1x128x128xf32, #tpu.memory_space<vmem>>
      %dma_wait3A_126 = tpu.memref_squeeze %dma_wait3A_125 : memref<1x128x128xf32, #tpu.memory_space<vmem>> -> memref<128x128xf32, #tpu.memory_space<vmem>>
      %dma_wait3A_127 = arith.constant 0 : i32
      %dma_wait3A_128 = tpu.memref_slice %arg5[%dma_wait3A_127] : memref<5504xi32, #tpu.memory_space<vmem>> -> memref<128xi32, #tpu.memory_space<vmem>>
      %dma_wait3A_129 = arith.constant 0 : i32
      %dma_wait3A_130 = arith.constant 0 : i32
      %dma_wait3A_131 = tpu.memref_slice %arg2[%dma_wait3A_129, %dma_wait3A_130] : memref<10000x128xf32, #tpu.memory_space<hbm>> -> memref<10000x128xf32, #tpu.memory_space<hbm>>
      %dma_wait3A_132 = tpu.memref_slice %arg7[%select_n3A_122] : memref<4x!tpu.dma_semaphore, #tpu.memory_space<semaphore_mem>> -> memref<1x!tpu.dma_semaphore, #tpu.memory_space<semaphore_mem>>
      %dma_wait3A_133 = tpu.memref_squeeze %dma_wait3A_132 : memref<1x!tpu.dma_semaphore, #tpu.memory_space<semaphore_mem>> -> memref<!tpu.dma_semaphore, #tpu.memory_space<semaphore_mem>>
      tpu.wait_indirect_dma semaphore(%dma_wait3A_133 : memref<!tpu.dma_semaphore, #tpu.memory_space<semaphore_mem>>) src(%dma_wait3A_131 : memref<10000x128xf32, #tpu.memory_space<hbm>>) dst(%dma_wait3A_126 : memref<128x128xf32, #tpu.memory_space<vmem>>)
      %mul3A_134 = arith.constant 128 : i32
      %mul3A_135 = arith.muli %scan3A_112, %mul3A_134 : i32
      %add3A_136 = arith.addi %mul3A_4, %mul3A_135 : i32
      %dma_start3A_137 = arith.constant 0 : i32
      %dma_start3A_138 = arith.constant 0 : i32
      %dma_start3A_139 = tpu.memref_slice %arg6[%select_n3A_122, %dma_start3A_137, %dma_start3A_138] : memref<4x128x128xf32, #tpu.memory_space<vmem>> -> memref<1x128x128xf32, #tpu.memory_space<vmem>>
      %dma_start3A_140 = tpu.memref_squeeze %dma_start3A_139 : memref<1x128x128xf32, #tpu.memory_space<vmem>> -> memref<128x128xf32, #tpu.memory_space<vmem>>
      %dma_start3A_141 = arith.constant 0 : i32
      %dma_start3A_142 = tpu.memref_slice %arg4[%add3A_136, %dma_start3A_141] : memref<176128x128xf32, #tpu.memory_space<hbm>> -> memref<128x128xf32, #tpu.memory_space<hbm>>
      %dma_start3A_143 = tpu.memref_slice %arg8[%select_n3A_122] : memref<4x!tpu.dma_semaphore, #tpu.memory_space<semaphore_mem>> -> memref<1x!tpu.dma_semaphore, #tpu.memory_space<semaphore_mem>>
      %dma_start3A_144 = tpu.memref_squeeze %dma_start3A_143 : memref<1x!tpu.dma_semaphore, #tpu.memory_space<semaphore_mem>> -> memref<!tpu.dma_semaphore, #tpu.memory_space<semaphore_mem>>
      %dma_start3A_145 = arith.constant 0 : i32
      %dma_start3A_146 = tpu.memref_slice %arg4[%add3A_136, %dma_start3A_145] : memref<176128x128xf32, #tpu.memory_space<hbm>> -> memref<128x128xf32, #tpu.memory_space<hbm>>
      %dma_start3A_147 = arith.constant 0 : i32
      %dma_start3A_148 = arith.constant 0 : i32
      %dma_start3A_149 = tpu.memref_slice %arg6[%select_n3A_122, %dma_start3A_147, %dma_start3A_148] : memref<4x128x128xf32, #tpu.memory_space<vmem>> -> memref<1x128x128xf32, #tpu.memory_space<vmem>>
      %dma_start3A_150 = tpu.memref_squeeze %dma_start3A_149 : memref<1x128x128xf32, #tpu.memory_space<vmem>> -> memref<128x128xf32, #tpu.memory_space<vmem>>
      tpu.enqueue_dma source(%dma_start3A_150 : memref<128x128xf32, #tpu.memory_space<vmem>>) target(%dma_start3A_146 : memref<128x128xf32, #tpu.memory_space<hbm>>) target_semaphore(%dma_start3A_144 : memref<!tpu.dma_semaphore, #tpu.memory_space<semaphore_mem>>)
      %add3A_151 = arith.constant 4 : i32
      %add3A_152 = arith.addi %scan3A_112, %add3A_151 : i32
      %sub3A = arith.constant 1 : i32
      %sub3A_153 = arith.subi %add3A_152, %sub3A : i32
      %lt3A_154 = arith.constant 43 : i32
      %lt3A_155 = arith.cmpi slt, %sub3A_153, %lt3A_154 : i32
      %ge3A = arith.constant 1 : i32
      %ge3A_156 = arith.cmpi sge, %scan3A_112, %ge3A : i32
      %and3A_157 = arith.andi %lt3A_155, %ge3A_156 : i1
      %convert_element_type3A = arith.extui %and3A_157 : i1 to i32
      %cond3A = arith.constant 0 : i32
      %cond3A_158 = arith.cmpi ne, %convert_element_type3A, %cond3A : i32
      scf.if %cond3A_158 {
        %sub3A_165 = arith.constant 1 : i32
        %sub3A_166 = arith.subi %scan3A_112, %sub3A_165 : i32
        %jit3A_167 = arith.constant 4 : i32
        %eq3A_168 = arith.constant 0 : i32
        %eq3A_169 = arith.cmpi eq, %jit3A_167, %eq3A_168 : i32
        %jit3A_170 = arith.constant 1 : i32
        %select_n3A_171 = arith.select %eq3A_169, %jit3A_170, %jit3A_167 : i32
        %rem3A_172 = arith.remsi %sub3A_166, %select_n3A_171 : i32
        %ne3A_173 = arith.constant 0 : i32
        %ne3A_174 = arith.cmpi ne, %rem3A_172, %ne3A_173 : i32
        %lt3A_175 = arith.constant 0 : i32
        %lt3A_176 = arith.cmpi slt, %rem3A_172, %lt3A_175 : i32
        %lt3A_177 = arith.constant 0 : i32
        %lt3A_178 = arith.cmpi slt, %select_n3A_171, %lt3A_177 : i32
        %ne3A_179 = arith.xori %lt3A_176, %lt3A_178 : i1
        %and3A_180 = arith.andi %ne3A_179, %ne3A_174 : i1
        %add3A_181 = arith.addi %rem3A_172, %select_n3A_171 : i32
        %select_n3A_182 = arith.select %and3A_180, %add3A_181, %rem3A_172 : i32
        %sub3A_183 = arith.constant 1 : i32
        %sub3A_184 = arith.subi %scan3A_112, %sub3A_183 : i32
        %jit3A_185 = arith.constant 4 : i32
        %eq3A_186 = arith.constant 0 : i32
        %eq3A_187 = arith.cmpi eq, %jit3A_185, %eq3A_186 : i32
        %jit3A_188 = arith.constant 1 : i32
        %select_n3A_189 = arith.select %eq3A_187, %jit3A_188, %jit3A_185 : i32
        %rem3A_190 = arith.remsi %sub3A_184, %select_n3A_189 : i32
        %ne3A_191 = arith.constant 0 : i32
        %ne3A_192 = arith.cmpi ne, %rem3A_190, %ne3A_191 : i32
        %lt3A_193 = arith.constant 0 : i32
        %lt3A_194 = arith.cmpi slt, %rem3A_190, %lt3A_193 : i32
        %lt3A_195 = arith.constant 0 : i32
        %lt3A_196 = arith.cmpi slt, %select_n3A_189, %lt3A_195 : i32
        %ne3A_197 = arith.xori %lt3A_194, %lt3A_196 : i1
        %and3A_198 = arith.andi %ne3A_197, %ne3A_192 : i1
        %add3A_199 = arith.addi %rem3A_190, %select_n3A_189 : i32
        %select_n3A_200 = arith.select %and3A_198, %add3A_199, %rem3A_190 : i32
        %dma_wait3A_201 = arith.constant 0 : i32
        %dma_wait3A_202 = arith.constant 0 : i32
        %dma_wait3A_203 = tpu.memref_slice %arg6[%select_n3A_182, %dma_wait3A_201, %dma_wait3A_202] : memref<4x128x128xf32, #tpu.memory_space<vmem>> -> memref<1x128x128xf32, #tpu.memory_space<vmem>>
        %dma_wait3A_204 = tpu.memref_squeeze %dma_wait3A_203 : memref<1x128x128xf32, #tpu.memory_space<vmem>> -> memref<128x128xf32, #tpu.memory_space<vmem>>
        %dma_wait3A_205 = arith.constant 0 : i32
        %dma_wait3A_206 = tpu.memref_slice %arg4[%mul3A_4, %dma_wait3A_205] : memref<176128x128xf32, #tpu.memory_space<hbm>> -> memref<128x128xf32, #tpu.memory_space<hbm>>
        %dma_wait3A_207 = tpu.memref_slice %arg8[%select_n3A_200] : memref<4x!tpu.dma_semaphore, #tpu.memory_space<semaphore_mem>> -> memref<1x!tpu.dma_semaphore, #tpu.memory_space<semaphore_mem>>
        %dma_wait3A_208 = tpu.memref_squeeze %dma_wait3A_207 : memref<1x!tpu.dma_semaphore, #tpu.memory_space<semaphore_mem>> -> memref<!tpu.dma_semaphore, #tpu.memory_space<semaphore_mem>>
        %dma_wait3A_209 = arith.constant 0 : i32
        %dma_wait3A_210 = tpu.memref_slice %arg4[%mul3A_4, %dma_wait3A_209] : memref<176128x128xf32, #tpu.memory_space<hbm>> -> memref<128x128xf32, #tpu.memory_space<hbm>>
        %dma_wait3A_211 = arith.constant 0 : i32
        %dma_wait3A_212 = arith.constant 0 : i32
        %dma_wait3A_213 = tpu.memref_slice %arg6[%select_n3A_182, %dma_wait3A_211, %dma_wait3A_212] : memref<4x128x128xf32, #tpu.memory_space<vmem>> -> memref<1x128x128xf32, #tpu.memory_space<vmem>>
        %dma_wait3A_214 = tpu.memref_squeeze %dma_wait3A_213 : memref<1x128x128xf32, #tpu.memory_space<vmem>> -> memref<128x128xf32, #tpu.memory_space<vmem>>
        tpu.wait_dma2 semaphore(%dma_wait3A_208 : memref<!tpu.dma_semaphore, #tpu.memory_space<semaphore_mem>>) src(%dma_wait3A_214 : memref<128x128xf32, #tpu.memory_space<vmem>>) dst(%dma_wait3A_210 : memref<128x128xf32, #tpu.memory_space<hbm>>)
      } else {
      }
      %lt3A_159 = arith.constant 43 : i32
      %lt3A_160 = arith.cmpi slt, %sub3A_153, %lt3A_159 : i32
      %convert_element_type3A_161 = arith.extui %lt3A_160 : i1 to i32
      %cond3A_162 = arith.constant 0 : i32
      %cond3A_163 = arith.cmpi ne, %convert_element_type3A_161, %cond3A_162 : i32
      scf.if %cond3A_163 {
        %jit3A_165 = arith.constant 4 : i32
        %eq3A_166 = arith.constant 0 : i32
        %eq3A_167 = arith.cmpi eq, %jit3A_165, %eq3A_166 : i32
        %jit3A_168 = arith.constant 1 : i32
        %select_n3A_169 = arith.select %eq3A_167, %jit3A_168, %jit3A_165 : i32
        %rem3A_170 = arith.remsi %sub3A_153, %select_n3A_169 : i32
        %ne3A_171 = arith.constant 0 : i32
        %ne3A_172 = arith.cmpi ne, %rem3A_170, %ne3A_171 : i32
        %lt3A_173 = arith.constant 0 : i32
        %lt3A_174 = arith.cmpi slt, %rem3A_170, %lt3A_173 : i32
        %lt3A_175 = arith.constant 0 : i32
        %lt3A_176 = arith.cmpi slt, %select_n3A_169, %lt3A_175 : i32
        %ne3A_177 = arith.xori %lt3A_174, %lt3A_176 : i1
        %and3A_178 = arith.andi %ne3A_177, %ne3A_172 : i1
        %add3A_179 = arith.addi %rem3A_170, %select_n3A_169 : i32
        %select_n3A_180 = arith.select %and3A_178, %add3A_179, %rem3A_170 : i32
        %mul3A_181 = arith.constant 128 : i32
        %mul3A_182 = arith.muli %sub3A_153, %mul3A_181 : i32
        %dma_start3A_183 = arith.constant 0 : i32
        %dma_start3A_184 = arith.constant 0 : i32
        %dma_start3A_185 = tpu.memref_slice %arg6[%select_n3A_180, %dma_start3A_183, %dma_start3A_184] : memref<4x128x128xf32, #tpu.memory_space<vmem>> -> memref<1x128x128xf32, #tpu.memory_space<vmem>>
        %dma_start3A_186 = tpu.memref_squeeze %dma_start3A_185 : memref<1x128x128xf32, #tpu.memory_space<vmem>> -> memref<128x128xf32, #tpu.memory_space<vmem>>
        %dma_start3A_187 = tpu.memref_slice %arg5[%mul3A_182] : memref<5504xi32, #tpu.memory_space<vmem>> -> memref<128xi32, #tpu.memory_space<vmem>>
        %dma_start3A_188 = arith.constant 0 : i32
        %dma_start3A_189 = arith.constant 0 : i32
        %dma_start3A_190 = tpu.memref_slice %arg2[%dma_start3A_188, %dma_start3A_189] : memref<10000x128xf32, #tpu.memory_space<hbm>> -> memref<10000x128xf32, #tpu.memory_space<hbm>>
        %dma_start3A_191 = tpu.memref_slice %arg7[%select_n3A_180] : memref<4x!tpu.dma_semaphore, #tpu.memory_space<semaphore_mem>> -> memref<1x!tpu.dma_semaphore, #tpu.memory_space<semaphore_mem>>
        %dma_start3A_192 = tpu.memref_squeeze %dma_start3A_191 : memref<1x!tpu.dma_semaphore, #tpu.memory_space<semaphore_mem>> -> memref<!tpu.dma_semaphore, #tpu.memory_space<semaphore_mem>>
        tpu.enqueue_indirect_dma source(%dma_start3A_190 : memref<10000x128xf32, #tpu.memory_space<hbm>>) target(%dma_start3A_186 : memref<128x128xf32, #tpu.memory_space<vmem>>) offsets(%dma_start3A_187 : memref<128xi32, #tpu.memory_space<vmem>>) semaphore(%dma_start3A_192 : memref<!tpu.dma_semaphore, #tpu.memory_space<semaphore_mem>>)
      } else {
      }
      %scan3A_164 = arith.constant 0 : i32
      scf.yield %scan3A_164 : i32
    }
    %scan3A_48 = arith.constant 43 : i32
    %dma_wait3A = arith.constant 2 : i32
    %dma_wait3A_49 = arith.constant 2 : i32
    %dma_wait3A_50 = arith.constant 0 : i32
    %dma_wait3A_51 = arith.constant 0 : i32
    %dma_wait3A_52 = tpu.memref_slice %arg6[%dma_wait3A, %dma_wait3A_50, %dma_wait3A_51] : memref<4x128x128xf32, #tpu.memory_space<vmem>> -> memref<1x128x128xf32, #tpu.memory_space<vmem>>
    %dma_wait3A_53 = tpu.memref_squeeze %dma_wait3A_52 : memref<1x128x128xf32, #tpu.memory_space<vmem>> -> memref<128x128xf32, #tpu.memory_space<vmem>>
    %dma_wait3A_54 = arith.constant 0 : i32
    %dma_wait3A_55 = tpu.memref_slice %arg4[%mul3A_4, %dma_wait3A_54] : memref<176128x128xf32, #tpu.memory_space<hbm>> -> memref<128x128xf32, #tpu.memory_space<hbm>>
    %dma_wait3A_56 = tpu.memref_slice %arg8[%dma_wait3A_49] : memref<4x!tpu.dma_semaphore, #tpu.memory_space<semaphore_mem>> -> memref<1x!tpu.dma_semaphore, #tpu.memory_space<semaphore_mem>>
    %dma_wait3A_57 = tpu.memref_squeeze %dma_wait3A_56 : memref<1x!tpu.dma_semaphore, #tpu.memory_space<semaphore_mem>> -> memref<!tpu.dma_semaphore, #tpu.memory_space<semaphore_mem>>
    %dma_wait3A_58 = arith.constant 0 : i32
    %dma_wait3A_59 = tpu.memref_slice %arg4[%mul3A_4, %dma_wait3A_58] : memref<176128x128xf32, #tpu.memory_space<hbm>> -> memref<128x128xf32, #tpu.memory_space<hbm>>
    %dma_wait3A_60 = arith.constant 0 : i32
    %dma_wait3A_61 = arith.constant 0 : i32
    %dma_wait3A_62 = tpu.memref_slice %arg6[%dma_wait3A, %dma_wait3A_60, %dma_wait3A_61] : memref<4x128x128xf32, #tpu.memory_space<vmem>> -> memref<1x128x128xf32, #tpu.memory_space<vmem>>
    %dma_wait3A_63 = tpu.memref_squeeze %dma_wait3A_62 : memref<1x128x128xf32, #tpu.memory_space<vmem>> -> memref<128x128xf32, #tpu.memory_space<vmem>>
    tpu.wait_dma2 semaphore(%dma_wait3A_57 : memref<!tpu.dma_semaphore, #tpu.memory_space<semaphore_mem>>) src(%dma_wait3A_63 : memref<128x128xf32, #tpu.memory_space<vmem>>) dst(%dma_wait3A_59 : memref<128x128xf32, #tpu.memory_space<hbm>>)
    %dma_wait3A_64 = arith.constant 1 : i32
    %dma_wait3A_65 = arith.constant 1 : i32
    %dma_wait3A_66 = arith.constant 0 : i32
    %dma_wait3A_67 = arith.constant 0 : i32
    %dma_wait3A_68 = tpu.memref_slice %arg6[%dma_wait3A_64, %dma_wait3A_66, %dma_wait3A_67] : memref<4x128x128xf32, #tpu.memory_space<vmem>> -> memref<1x128x128xf32, #tpu.memory_space<vmem>>
    %dma_wait3A_69 = tpu.memref_squeeze %dma_wait3A_68 : memref<1x128x128xf32, #tpu.memory_space<vmem>> -> memref<128x128xf32, #tpu.memory_space<vmem>>
    %dma_wait3A_70 = arith.constant 0 : i32
    %dma_wait3A_71 = tpu.memref_slice %arg4[%mul3A_4, %dma_wait3A_70] : memref<176128x128xf32, #tpu.memory_space<hbm>> -> memref<128x128xf32, #tpu.memory_space<hbm>>
    %dma_wait3A_72 = tpu.memref_slice %arg8[%dma_wait3A_65] : memref<4x!tpu.dma_semaphore, #tpu.memory_space<semaphore_mem>> -> memref<1x!tpu.dma_semaphore, #tpu.memory_space<semaphore_mem>>
    %dma_wait3A_73 = tpu.memref_squeeze %dma_wait3A_72 : memref<1x!tpu.dma_semaphore, #tpu.memory_space<semaphore_mem>> -> memref<!tpu.dma_semaphore, #tpu.memory_space<semaphore_mem>>
    %dma_wait3A_74 = arith.constant 0 : i32
    %dma_wait3A_75 = tpu.memref_slice %arg4[%mul3A_4, %dma_wait3A_74] : memref<176128x128xf32, #tpu.memory_space<hbm>> -> memref<128x128xf32, #tpu.memory_space<hbm>>
    %dma_wait3A_76 = arith.constant 0 : i32
    %dma_wait3A_77 = arith.constant 0 : i32
    %dma_wait3A_78 = tpu.memref_slice %arg6[%dma_wait3A_64, %dma_wait3A_76, %dma_wait3A_77] : memref<4x128x128xf32, #tpu.memory_space<vmem>> -> memref<1x128x128xf32, #tpu.memory_space<vmem>>
    %dma_wait3A_79 = tpu.memref_squeeze %dma_wait3A_78 : memref<1x128x128xf32, #tpu.memory_space<vmem>> -> memref<128x128xf32, #tpu.memory_space<vmem>>
    tpu.wait_dma2 semaphore(%dma_wait3A_73 : memref<!tpu.dma_semaphore, #tpu.memory_space<semaphore_mem>>) src(%dma_wait3A_79 : memref<128x128xf32, #tpu.memory_space<vmem>>) dst(%dma_wait3A_75 : memref<128x128xf32, #tpu.memory_space<hbm>>)
    %dma_wait3A_80 = arith.constant 0 : i32
    %dma_wait3A_81 = arith.constant 0 : i32
    %dma_wait3A_82 = arith.constant 0 : i32
    %dma_wait3A_83 = arith.constant 0 : i32
    %dma_wait3A_84 = tpu.memref_slice %arg6[%dma_wait3A_80, %dma_wait3A_82, %dma_wait3A_83] : memref<4x128x128xf32, #tpu.memory_space<vmem>> -> memref<1x128x128xf32, #tpu.memory_space<vmem>>
    %dma_wait3A_85 = tpu.memref_squeeze %dma_wait3A_84 : memref<1x128x128xf32, #tpu.memory_space<vmem>> -> memref<128x128xf32, #tpu.memory_space<vmem>>
    %dma_wait3A_86 = arith.constant 0 : i32
    %dma_wait3A_87 = tpu.memref_slice %arg4[%mul3A_4, %dma_wait3A_86] : memref<176128x128xf32, #tpu.memory_space<hbm>> -> memref<128x128xf32, #tpu.memory_space<hbm>>
    %dma_wait3A_88 = tpu.memref_slice %arg8[%dma_wait3A_81] : memref<4x!tpu.dma_semaphore, #tpu.memory_space<semaphore_mem>> -> memref<1x!tpu.dma_semaphore, #tpu.memory_space<semaphore_mem>>
    %dma_wait3A_89 = tpu.memref_squeeze %dma_wait3A_88 : memref<1x!tpu.dma_semaphore, #tpu.memory_space<semaphore_mem>> -> memref<!tpu.dma_semaphore, #tpu.memory_space<semaphore_mem>>
    %dma_wait3A_90 = arith.constant 0 : i32
    %dma_wait3A_91 = tpu.memref_slice %arg4[%mul3A_4, %dma_wait3A_90] : memref<176128x128xf32, #tpu.memory_space<hbm>> -> memref<128x128xf32, #tpu.memory_space<hbm>>
    %dma_wait3A_92 = arith.constant 0 : i32
    %dma_wait3A_93 = arith.constant 0 : i32
    %dma_wait3A_94 = tpu.memref_slice %arg6[%dma_wait3A_80, %dma_wait3A_92, %dma_wait3A_93] : memref<4x128x128xf32, #tpu.memory_space<vmem>> -> memref<1x128x128xf32, #tpu.memory_space<vmem>>
    %dma_wait3A_95 = tpu.memref_squeeze %dma_wait3A_94 : memref<1x128x128xf32, #tpu.memory_space<vmem>> -> memref<128x128xf32, #tpu.memory_space<vmem>>
    tpu.wait_dma2 semaphore(%dma_wait3A_89 : memref<!tpu.dma_semaphore, #tpu.memory_space<semaphore_mem>>) src(%dma_wait3A_95 : memref<128x128xf32, #tpu.memory_space<vmem>>) dst(%dma_wait3A_91 : memref<128x128xf32, #tpu.memory_space<hbm>>)
    %dma_wait3A_96 = arith.constant 3 : i32
    %dma_wait3A_97 = arith.constant 3 : i32
    %dma_wait3A_98 = arith.constant 0 : i32
    %dma_wait3A_99 = arith.constant 0 : i32
    %dma_wait3A_100 = tpu.memref_slice %arg6[%dma_wait3A_96, %dma_wait3A_98, %dma_wait3A_99] : memref<4x128x128xf32, #tpu.memory_space<vmem>> -> memref<1x128x128xf32, #tpu.memory_space<vmem>>
    %dma_wait3A_101 = tpu.memref_squeeze %dma_wait3A_100 : memref<1x128x128xf32, #tpu.memory_space<vmem>> -> memref<128x128xf32, #tpu.memory_space<vmem>>
    %dma_wait3A_102 = arith.constant 0 : i32
    %dma_wait3A_103 = tpu.memref_slice %arg4[%mul3A_4, %dma_wait3A_102] : memref<176128x128xf32, #tpu.memory_space<hbm>> -> memref<128x128xf32, #tpu.memory_space<hbm>>
    %dma_wait3A_104 = tpu.memref_slice %arg8[%dma_wait3A_97] : memref<4x!tpu.dma_semaphore, #tpu.memory_space<semaphore_mem>> -> memref<1x!tpu.dma_semaphore, #tpu.memory_space<semaphore_mem>>
    %dma_wait3A_105 = tpu.memref_squeeze %dma_wait3A_104 : memref<1x!tpu.dma_semaphore, #tpu.memory_space<semaphore_mem>> -> memref<!tpu.dma_semaphore, #tpu.memory_space<semaphore_mem>>
    %dma_wait3A_106 = arith.constant 0 : i32
    %dma_wait3A_107 = tpu.memref_slice %arg4[%mul3A_4, %dma_wait3A_106] : memref<176128x128xf32, #tpu.memory_space<hbm>> -> memref<128x128xf32, #tpu.memory_space<hbm>>
    %dma_wait3A_108 = arith.constant 0 : i32
    %dma_wait3A_109 = arith.constant 0 : i32
    %dma_wait3A_110 = tpu.memref_slice %arg6[%dma_wait3A_96, %dma_wait3A_108, %dma_wait3A_109] : memref<4x128x128xf32, #tpu.memory_space<vmem>> -> memref<1x128x128xf32, #tpu.memory_space<vmem>>
    %dma_wait3A_111 = tpu.memref_squeeze %dma_wait3A_110 : memref<1x128x128xf32, #tpu.memory_space<vmem>> -> memref<128x128xf32, #tpu.memory_space<vmem>>
    tpu.wait_dma2 semaphore(%dma_wait3A_105 : memref<!tpu.dma_semaphore, #tpu.memory_space<semaphore_mem>>) src(%dma_wait3A_111 : memref<128x128xf32, #tpu.memory_space<vmem>>) dst(%dma_wait3A_107 : memref<128x128xf32, #tpu.memory_space<hbm>>)
    return
  }
}

module attributes {stable_mosaic.version = 14 : i64} {
  func.func @_tc_gru_body(%arg0: memref<2xi32, #tpu.memory_space<smem>>, %arg1: memref<12296xi32, #tpu.memory_space<smem>>, %arg2: memref<176128x128xf32, #tpu.memory_space<hbm>>, %arg3: memref<128x384xbf16, #tpu.memory_space<vmem>>, %arg4: memref<128x384xbf16, #tpu.memory_space<vmem>>, %arg5: memref<1x384xf32, #tpu.memory_space<vmem>>, %arg6: memref<1x384xf32, #tpu.memory_space<vmem>>, %arg7: memref<128x128xbf16, #tpu.memory_space<vmem>>, %arg8: memref<128x128xbf16, #tpu.memory_space<vmem>>, %arg9: memref<1x128xf32, #tpu.memory_space<vmem>>, %arg10: memref<12288x128xf32, #tpu.memory_space<vmem>>, %arg11: memref<12288x128xf32, #tpu.memory_space<vmem>>, %arg12: memref<2x10240x128xf32, #tpu.memory_space<vmem>>, %arg13: memref<2x!tpu.dma_semaphore, #tpu.memory_space<semaphore_mem>>) attributes {dimension_semantics = [], scalar_prefetch = 0 : i64, scratch_operands = 3 : i64, tpu.core_type = #tpu.core_type<tc>} {
    %get3A = arith.constant 0 : index
    %get3A_0 = memref.load %arg0[%get3A] : memref<2xi32, #tpu.memory_space<smem>>
    %get3A_1 = arith.constant 1 : index
    %get3A_2 = memref.load %arg0[%get3A_1] : memref<2xi32, #tpu.memory_space<smem>>
    %broadcast_in_dim3A = arith.constant 0.000000e+00 : f32
    %broadcast_in_dim3A_3 = vector.broadcast %broadcast_in_dim3A : f32 to vector<12288x128xf32>
    %swap3A = arith.constant 0 : index
    %swap3A_4 = arith.constant 0 : index
    %swap3A_5 = vector.load %arg11[%swap3A, %swap3A_4] : memref<12288x128xf32, #tpu.memory_space<vmem>>, vector<12288x128xf32>
    tpu.vector_store %arg11[%swap3A, %swap3A_4], %broadcast_in_dim3A_3 {strides = array<i32>} : memref<12288x128xf32, #tpu.memory_space<vmem>>, vector<12288x128xf32>,
    %add3A = arith.constant 256 : i32
    %add3A_6 = arith.addi %get3A_2, %add3A : i32
    %sub3A = arith.constant 1 : i32
    %sub3A_7 = arith.subi %add3A_6, %sub3A : i32
    %jit3A = arith.constant 256 : i32
    %div3A = arith.divsi %sub3A_7, %jit3A : i32
    %sign3A = arith.constant 0 : i32
    %sign3A_8 = arith.cmpi sgt, %sub3A_7, %sign3A : i32
    %sign3A_9 = arith.extui %sign3A_8 : i1 to i32
    %sign3A_10 = arith.constant 0 : i32
    %sign3A_11 = arith.cmpi slt, %sub3A_7, %sign3A_10 : i32
    %sign3A_12 = arith.extui %sign3A_11 : i1 to i32
    %sign3A_13 = arith.subi %sign3A_9, %sign3A_12 : i32
    %sign3A_14 = arith.constant 0 : i32
    %sign3A_15 = arith.cmpi sgt, %jit3A, %sign3A_14 : i32
    %sign3A_16 = arith.extui %sign3A_15 : i1 to i32
    %sign3A_17 = arith.constant 0 : i32
    %sign3A_18 = arith.cmpi slt, %jit3A, %sign3A_17 : i32
    %sign3A_19 = arith.extui %sign3A_18 : i1 to i32
    %sign3A_20 = arith.subi %sign3A_16, %sign3A_19 : i32
    %ne3A = arith.cmpi ne, %sign3A_13, %sign3A_20 : i32
    %rem3A = arith.remsi %sub3A_7, %jit3A : i32
    %ne3A_21 = arith.constant 0 : i32
    %ne3A_22 = arith.cmpi ne, %rem3A, %ne3A_21 : i32
    %and3A = arith.andi %ne3A, %ne3A_22 : i1
    %sub3A_23 = arith.constant 1 : i32
    %sub3A_24 = arith.subi %div3A, %sub3A_23 : i32
    %select_n3A = arith.select %and3A, %sub3A_24, %div3A : i32
    %while3A = arith.constant 0 : i32
    %while3A_25 = arith.constant 0 : i32
    %while3A_26 = arith.constant 0 : i32
    %while3A_27 = arith.constant 0 : i32
    %while3A_28 = arith.subi %select_n3A, %while3A_26 : i32
    %while3A_29 = arith.addi %while3A_26, %while3A_28 : i32
    %while3A_30 = arith.constant 1 : i32
    %while3A_31 = arith.divsi %while3A_28, %while3A_30 : i32
    %while3A_32 = arith.muli %while3A_31, %while3A_30 : i32
    %while3A_33 = arith.addi %while3A_26, %while3A_32 : i32
    %while3A_34 = arith.constant 1 : i32
    %while3A_35 = scf.for %while3A_97 = %while3A_26 to %while3A_33 step %while3A_34 iter_args(%while3A_98 = %while3A_27) -> (i32)  : i32 {
      %mul3A_99 = arith.constant 256 : i32
      %mul3A_100 = arith.muli %while3A_97, %mul3A_99 : i32
      %add3A_101 = arith.addi %while3A, %mul3A_100 : i32
      %mul3A_102 = arith.constant 256 : i32
      %mul3A_103 = arith.muli %while3A_97, %mul3A_102 : i32
      %dma_start3A_104 = tpu.memref_slice %arg13[%while3A_25] : memref<2x!tpu.dma_semaphore, #tpu.memory_space<semaphore_mem>> -> memref<1x!tpu.dma_semaphore, #tpu.memory_space<semaphore_mem>>
      %dma_start3A_105 = tpu.memref_squeeze %dma_start3A_104 : memref<1x!tpu.dma_semaphore, #tpu.memory_space<semaphore_mem>> -> memref<!tpu.dma_semaphore, #tpu.memory_space<semaphore_mem>>
      %dma_start3A_106 = arith.constant 0 : i32
      %dma_start3A_107 = tpu.memref_slice %arg12[%while3A_25, %mul3A_103, %dma_start3A_106] : memref<2x10240x128xf32, #tpu.memory_space<vmem>> -> memref<1x256x128xf32, #tpu.memory_space<vmem>>
      %dma_start3A_108 = tpu.memref_squeeze %dma_start3A_107 : memref<1x256x128xf32, #tpu.memory_space<vmem>> -> memref<256x128xf32, #tpu.memory_space<vmem>>
      %dma_start3A_109 = arith.constant 0 : i32
      %dma_start3A_110 = tpu.memref_slice %arg2[%add3A_101, %dma_start3A_109] : memref<176128x128xf32, #tpu.memory_space<hbm>> -> memref<256x128xf32, #tpu.memory_space<hbm>>
      tpu.enqueue_dma source(%dma_start3A_110 : memref<256x128xf32, #tpu.memory_space<hbm>>) target(%dma_start3A_108 : memref<256x128xf32, #tpu.memory_space<vmem>>) target_semaphore(%dma_start3A_105 : memref<!tpu.dma_semaphore, #tpu.memory_space<semaphore_mem>>)
      %while3A_111 = arith.constant 0 : i32
      scf.yield %while3A_111 : i32
    }
    %while3A_36 = arith.constant 1 : i32
    %while3A_37 = scf.for %while3A_97 = %while3A_33 to %while3A_29 step %while3A_36 iter_args(%while3A_98 = %while3A_35) -> (i32)  : i32 {
      %mul3A_99 = arith.constant 256 : i32
      %mul3A_100 = arith.muli %while3A_97, %mul3A_99 : i32
      %add3A_101 = arith.addi %while3A, %mul3A_100 : i32
      %mul3A_102 = arith.constant 256 : i32
      %mul3A_103 = arith.muli %while3A_97, %mul3A_102 : i32
      %dma_start3A_104 = tpu.memref_slice %arg13[%while3A_25] : memref<2x!tpu.dma_semaphore, #tpu.memory_space<semaphore_mem>> -> memref<1x!tpu.dma_semaphore, #tpu.memory_space<semaphore_mem>>
      %dma_start3A_105 = tpu.memref_squeeze %dma_start3A_104 : memref<1x!tpu.dma_semaphore, #tpu.memory_space<semaphore_mem>> -> memref<!tpu.dma_semaphore, #tpu.memory_space<semaphore_mem>>
      %dma_start3A_106 = arith.constant 0 : i32
      %dma_start3A_107 = tpu.memref_slice %arg12[%while3A_25, %mul3A_103, %dma_start3A_106] : memref<2x10240x128xf32, #tpu.memory_space<vmem>> -> memref<1x256x128xf32, #tpu.memory_space<vmem>>
      %dma_start3A_108 = tpu.memref_squeeze %dma_start3A_107 : memref<1x256x128xf32, #tpu.memory_space<vmem>> -> memref<256x128xf32, #tpu.memory_space<vmem>>
      %dma_start3A_109 = arith.constant 0 : i32
      %dma_start3A_110 = tpu.memref_slice %arg2[%add3A_101, %dma_start3A_109] : memref<176128x128xf32, #tpu.memory_space<hbm>> -> memref<256x128xf32, #tpu.memory_space<hbm>>
      tpu.enqueue_dma source(%dma_start3A_110 : memref<256x128xf32, #tpu.memory_space<hbm>>) target(%dma_start3A_108 : memref<256x128xf32, #tpu.memory_space<vmem>>) target_semaphore(%dma_start3A_105 : memref<!tpu.dma_semaphore, #tpu.memory_space<semaphore_mem>>)
      %while3A_111 = arith.constant 0 : i32
      scf.yield %while3A_111 : i32
    }
    %while3A_38 = arith.constant 0 : i32
    %while3A_39 = arith.constant 0 : i32
    %while3A_40 = arith.subi %get3A_0, %while3A_38 : i32
    %while3A_41 = arith.addi %while3A_38, %while3A_40 : i32
    %while3A_42 = arith.constant 1 : i32
    %while3A_43 = arith.divsi %while3A_40, %while3A_42 : i32
    %while3A_44 = arith.muli %while3A_43, %while3A_42 : i32
    %while3A_45 = arith.addi %while3A_38, %while3A_44 : i32
    %while3A_46 = arith.constant 1 : i32
    %while3A_47:2 = scf.for %while3A_97 = %while3A_38 to %while3A_45 step %while3A_46 iter_args(%while3A_98 = %while3A_39, %while3A_99 = %get3A_2) -> (i32, i32)  : i32 {
      %jit3A_100 = arith.constant 2 : i32
      %eq3A_101 = arith.constant 0 : i32
      %eq3A_102 = arith.cmpi eq, %jit3A_100, %eq3A_101 : i32
      %jit3A_103 = arith.constant 1 : i32
      %select_n3A_104 = arith.select %eq3A_102, %jit3A_103, %jit3A_100 : i32
      %rem3A_105 = arith.remsi %while3A_97, %select_n3A_104 : i32
      %ne3A_106 = arith.constant 0 : i32
      %ne3A_107 = arith.cmpi ne, %rem3A_105, %ne3A_106 : i32
      %lt3A_108 = arith.constant 0 : i32
      %lt3A_109 = arith.cmpi slt, %rem3A_105, %lt3A_108 : i32
      %lt3A_110 = arith.constant 0 : i32
      %lt3A_111 = arith.cmpi slt, %select_n3A_104, %lt3A_110 : i32
      %ne3A_112 = arith.xori %lt3A_109, %lt3A_111 : i1
      %and3A_113 = arith.andi %ne3A_112, %ne3A_107 : i1
      %add3A_114 = arith.addi %rem3A_105, %select_n3A_104 : i32
      %select_n3A_115 = arith.select %and3A_113, %add3A_114, %rem3A_105 : i32
      %add3A_116 = arith.addi %while3A_98, %while3A_99 : i32
      %add3A_117 = arith.constant 1 : i32
      %add3A_118 = arith.addi %while3A_97, %add3A_117 : i32
      %scan3A_119 = arith.constant 0 : i32
      %scan3A_120 = arith.constant 12288 : i32
      %scan3A_121 = arith.constant 0 : i32
      %scan3A_122 = arith.constant 14 : i32
      %scan3A_123 = arith.addi %scan3A_121, %scan3A_122 : i32
      %scan3A_124 = arith.constant 1 : i32
      %scan3A_125:2 = scf.for %scan3A_249 = %scan3A_121 to %scan3A_123 step %scan3A_124 iter_args(%scan3A_250 = %scan3A_119, %scan3A_251 = %scan3A_120) -> (i32, i32)  : i32 {
        %add3A_252 = arith.addi %scan3A_250, %scan3A_251 : i32
        %jit3A_253 = arith.constant 2 : i32
        %div3A_254 = arith.divsi %add3A_252, %jit3A_253 : i32
        %sign3A_255 = arith.constant 0 : i32
        %sign3A_256 = arith.cmpi sgt, %add3A_252, %sign3A_255 : i32
        %sign3A_257 = arith.extui %sign3A_256 : i1 to i32
        %sign3A_258 = arith.constant 0 : i32
        %sign3A_259 = arith.cmpi slt, %add3A_252, %sign3A_258 : i32
        %sign3A_260 = arith.extui %sign3A_259 : i1 to i32
        %sign3A_261 = arith.subi %sign3A_257, %sign3A_260 : i32
        %sign3A_262 = arith.constant 0 : i32
        %sign3A_263 = arith.cmpi sgt, %jit3A_253, %sign3A_262 : i32
        %sign3A_264 = arith.extui %sign3A_263 : i1 to i32
        %sign3A_265 = arith.constant 0 : i32
        %sign3A_266 = arith.cmpi slt, %jit3A_253, %sign3A_265 : i32
        %sign3A_267 = arith.extui %sign3A_266 : i1 to i32
        %sign3A_268 = arith.subi %sign3A_264, %sign3A_267 : i32
        %ne3A_269 = arith.cmpi ne, %sign3A_261, %sign3A_268 : i32
        %rem3A_270 = arith.remsi %add3A_252, %jit3A_253 : i32
        %ne3A_271 = arith.constant 0 : i32
        %ne3A_272 = arith.cmpi ne, %rem3A_270, %ne3A_271 : i32
        %and3A_273 = arith.andi %ne3A_269, %ne3A_272 : i1
        %sub3A_274 = arith.constant 1 : i32
        %sub3A_275 = arith.subi %div3A_254, %sub3A_274 : i32
        %select_n3A_276 = arith.select %and3A_273, %sub3A_275, %div3A_254 : i32
        %get3A_277 = arith.index_cast %select_n3A_276 : i32 to index
        %get3A_278 = memref.load %arg1[%get3A_277] : memref<12296xi32, #tpu.memory_space<smem>>
        %gt3A = arith.cmpi sgt, %get3A_278, %add3A_118 : i32
        %add3A_279 = arith.constant 1 : i32
        %add3A_280 = arith.addi %select_n3A_276, %add3A_279 : i32
        %select_n3A_281 = arith.select %gt3A, %add3A_280, %scan3A_250 : i32
        %select_n3A_282 = arith.select %gt3A, %scan3A_251, %select_n3A_276 : i32
        scf.yield %select_n3A_281, %select_n3A_282 : i32, i32
      }
      %scan3A_126 = arith.constant 14 : i32
      %sub3A_127 = arith.constant 1 : i32
      %sub3A_128 = arith.subi %sub3A_127, %select_n3A_115 : i32
      %add3A_129 = arith.constant 256 : i32
      %add3A_130 = arith.addi %scan3A_125#0, %add3A_129 : i32
      %sub3A_131 = arith.constant 1 : i32
      %sub3A_132 = arith.subi %add3A_130, %sub3A_131 : i32
      %jit3A_133 = arith.constant 256 : i32
      %div3A_134 = arith.divsi %sub3A_132, %jit3A_133 : i32
      %sign3A_135 = arith.constant 0 : i32
      %sign3A_136 = arith.cmpi sgt, %sub3A_132, %sign3A_135 : i32
      %sign3A_137 = arith.extui %sign3A_136 : i1 to i32
      %sign3A_138 = arith.constant 0 : i32
      %sign3A_139 = arith.cmpi slt, %sub3A_132, %sign3A_138 : i32
      %sign3A_140 = arith.extui %sign3A_139 : i1 to i32
      %sign3A_141 = arith.subi %sign3A_137, %sign3A_140 : i32
      %sign3A_142 = arith.constant 0 : i32
      %sign3A_143 = arith.cmpi sgt, %jit3A_133, %sign3A_142 : i32
      %sign3A_144 = arith.extui %sign3A_143 : i1 to i32
      %sign3A_145 = arith.constant 0 : i32
      %sign3A_146 = arith.cmpi slt, %jit3A_133, %sign3A_145 : i32
      %sign3A_147 = arith.extui %sign3A_146 : i1 to i32
      %sign3A_148 = arith.subi %sign3A_144, %sign3A_147 : i32
      %ne3A_149 = arith.cmpi ne, %sign3A_141, %sign3A_148 : i32
      %rem3A_150 = arith.remsi %sub3A_132, %jit3A_133 : i32
      %ne3A_151 = arith.constant 0 : i32
      %ne3A_152 = arith.cmpi ne, %rem3A_150, %ne3A_151 : i32
      %and3A_153 = arith.andi %ne3A_149, %ne3A_152 : i1
      %sub3A_154 = arith.constant 1 : i32
      %sub3A_155 = arith.subi %div3A_134, %sub3A_154 : i32
      %select_n3A_156 = arith.select %and3A_153, %sub3A_155, %div3A_134 : i32
      %while3A_157 = arith.constant 0 : i32
      %while3A_158 = arith.constant 0 : i32
      %while3A_159 = arith.subi %select_n3A_156, %while3A_157 : i32
      %while3A_160 = arith.addi %while3A_157, %while3A_159 : i32
      %while3A_161 = arith.constant 1 : i32
      %while3A_162 = arith.divsi %while3A_159, %while3A_161 : i32
      %while3A_163 = arith.muli %while3A_162, %while3A_161 : i32
      %while3A_164 = arith.addi %while3A_157, %while3A_163 : i32
      %while3A_165 = arith.constant 1 : i32
      %while3A_166 = scf.for %while3A_249 = %while3A_157 to %while3A_164 step %while3A_165 iter_args(%while3A_250 = %while3A_158) -> (i32)  : i32 {
        %mul3A_251 = arith.constant 256 : i32
        %mul3A_252 = arith.muli %while3A_249, %mul3A_251 : i32
        %add3A_253 = arith.addi %add3A_116, %mul3A_252 : i32
        %mul3A_254 = arith.constant 256 : i32
        %mul3A_255 = arith.muli %while3A_249, %mul3A_254 : i32
        %dma_start3A_256 = tpu.memref_slice %arg13[%sub3A_128] : memref<2x!tpu.dma_semaphore, #tpu.memory_space<semaphore_mem>> -> memref<1x!tpu.dma_semaphore, #tpu.memory_space<semaphore_mem>>
        %dma_start3A_257 = tpu.memref_squeeze %dma_start3A_256 : memref<1x!tpu.dma_semaphore, #tpu.memory_space<semaphore_mem>> -> memref<!tpu.dma_semaphore, #tpu.memory_space<semaphore_mem>>
        %dma_start3A_258 = arith.constant 0 : i32
        %dma_start3A_259 = tpu.memref_slice %arg12[%sub3A_128, %mul3A_255, %dma_start3A_258] : memref<2x10240x128xf32, #tpu.memory_space<vmem>> -> memref<1x256x128xf32, #tpu.memory_space<vmem>>
        %dma_start3A_260 = tpu.memref_squeeze %dma_start3A_259 : memref<1x256x128xf32, #tpu.memory_space<vmem>> -> memref<256x128xf32, #tpu.memory_space<vmem>>
        %dma_start3A_261 = arith.constant 0 : i32
        %dma_start3A_262 = tpu.memref_slice %arg2[%add3A_253, %dma_start3A_261] : memref<176128x128xf32, #tpu.memory_space<hbm>> -> memref<256x128xf32, #tpu.memory_space<hbm>>
        tpu.enqueue_dma source(%dma_start3A_262 : memref<256x128xf32, #tpu.memory_space<hbm>>) target(%dma_start3A_260 : memref<256x128xf32, #tpu.memory_space<vmem>>) target_semaphore(%dma_start3A_257 : memref<!tpu.dma_semaphore, #tpu.memory_space<semaphore_mem>>)
        %while3A_263 = arith.constant 0 : i32
        scf.yield %while3A_263 : i32
      }
      %while3A_167 = arith.constant 1 : i32
      %while3A_168 = scf.for %while3A_249 = %while3A_164 to %while3A_160 step %while3A_167 iter_args(%while3A_250 = %while3A_166) -> (i32)  : i32 {
        %mul3A_251 = arith.constant 256 : i32
        %mul3A_252 = arith.muli %while3A_249, %mul3A_251 : i32
        %add3A_253 = arith.addi %add3A_116, %mul3A_252 : i32
        %mul3A_254 = arith.constant 256 : i32
        %mul3A_255 = arith.muli %while3A_249, %mul3A_254 : i32
        %dma_start3A_256 = tpu.memref_slice %arg13[%sub3A_128] : memref<2x!tpu.dma_semaphore, #tpu.memory_space<semaphore_mem>> -> memref<1x!tpu.dma_semaphore, #tpu.memory_space<semaphore_mem>>
        %dma_start3A_257 = tpu.memref_squeeze %dma_start3A_256 : memref<1x!tpu.dma_semaphore, #tpu.memory_space<semaphore_mem>> -> memref<!tpu.dma_semaphore, #tpu.memory_space<semaphore_mem>>
        %dma_start3A_258 = arith.constant 0 : i32
        %dma_start3A_259 = tpu.memref_slice %arg12[%sub3A_128, %mul3A_255, %dma_start3A_258] : memref<2x10240x128xf32, #tpu.memory_space<vmem>> -> memref<1x256x128xf32, #tpu.memory_space<vmem>>
        %dma_start3A_260 = tpu.memref_squeeze %dma_start3A_259 : memref<1x256x128xf32, #tpu.memory_space<vmem>> -> memref<256x128xf32, #tpu.memory_space<vmem>>
        %dma_start3A_261 = arith.constant 0 : i32
        %dma_start3A_262 = tpu.memref_slice %arg2[%add3A_253, %dma_start3A_261] : memref<176128x128xf32, #tpu.memory_space<hbm>> -> memref<256x128xf32, #tpu.memory_space<hbm>>
        tpu.enqueue_dma source(%dma_start3A_262 : memref<256x128xf32, #tpu.memory_space<hbm>>) target(%dma_start3A_260 : memref<256x128xf32, #tpu.memory_space<vmem>>) target_semaphore(%dma_start3A_257 : memref<!tpu.dma_semaphore, #tpu.memory_space<semaphore_mem>>)
        %while3A_263 = arith.constant 0 : i32
        scf.yield %while3A_263 : i32
      }
      %add3A_169 = arith.constant 256 : i32
      %add3A_170 = arith.addi %while3A_99, %add3A_169 : i32
      %sub3A_171 = arith.constant 1 : i32
      %sub3A_172 = arith.subi %add3A_170, %sub3A_171 : i32
      %jit3A_173 = arith.constant 256 : i32
      %div3A_174 = arith.divsi %sub3A_172, %jit3A_173 : i32
      %sign3A_175 = arith.constant 0 : i32
      %sign3A_176 = arith.cmpi sgt, %sub3A_172, %sign3A_175 : i32
      %sign3A_177 = arith.extui %sign3A_176 : i1 to i32
      %sign3A_178 = arith.constant 0 : i32
      %sign3A_179 = arith.cmpi slt, %sub3A_172, %sign3A_178 : i32
      %sign3A_180 = arith.extui %sign3A_179 : i1 to i32
      %sign3A_181 = arith.subi %sign3A_177, %sign3A_180 : i32
      %sign3A_182 = arith.constant 0 : i32
      %sign3A_183 = arith.cmpi sgt, %jit3A_173, %sign3A_182 : i32
      %sign3A_184 = arith.extui %sign3A_183 : i1 to i32
      %sign3A_185 = arith.constant 0 : i32
      %sign3A_186 = arith.cmpi slt, %jit3A_173, %sign3A_185 : i32
      %sign3A_187 = arith.extui %sign3A_186 : i1 to i32
      %sign3A_188 = arith.subi %sign3A_184, %sign3A_187 : i32
      %ne3A_189 = arith.cmpi ne, %sign3A_181, %sign3A_188 : i32
      %rem3A_190 = arith.remsi %sub3A_172, %jit3A_173 : i32
      %ne3A_191 = arith.constant 0 : i32
      %ne3A_192 = arith.cmpi ne, %rem3A_190, %ne3A_191 : i32
      %and3A_193 = arith.andi %ne3A_189, %ne3A_192 : i1
      %sub3A_194 = arith.constant 1 : i32
      %sub3A_195 = arith.subi %div3A_174, %sub3A_194 : i32
      %select_n3A_196 = arith.select %and3A_193, %sub3A_195, %div3A_174 : i32
      %while3A_197 = arith.constant 0 : i32
      %while3A_198 = arith.constant 0 : i32
      %while3A_199 = arith.subi %select_n3A_196, %while3A_197 : i32
      %while3A_200 = arith.addi %while3A_197, %while3A_199 : i32
      %while3A_201 = arith.constant 1 : i32
      %while3A_202 = arith.divsi %while3A_199, %while3A_201 : i32
      %while3A_203 = arith.muli %while3A_202, %while3A_201 : i32
      %while3A_204 = arith.addi %while3A_197, %while3A_203 : i32
      %while3A_205 = arith.constant 1 : i32
      %while3A_206 = scf.for %while3A_249 = %while3A_197 to %while3A_204 step %while3A_205 iter_args(%while3A_250 = %while3A_198) -> (i32)  : i32 {
        %mul3A_251 = arith.constant 256 : i32
        %mul3A_252 = arith.muli %while3A_249, %mul3A_251 : i32
        %dma_wait3A = tpu.memref_slice %arg13[%select_n3A_115] : memref<2x!tpu.dma_semaphore, #tpu.memory_space<semaphore_mem>> -> memref<1x!tpu.dma_semaphore, #tpu.memory_space<semaphore_mem>>
        %dma_wait3A_253 = tpu.memref_squeeze %dma_wait3A : memref<1x!tpu.dma_semaphore, #tpu.memory_space<semaphore_mem>> -> memref<!tpu.dma_semaphore, #tpu.memory_space<semaphore_mem>>
        %dma_wait3A_254 = arith.constant 0 : i32
        %dma_wait3A_255 = tpu.memref_slice %arg12[%select_n3A_115, %mul3A_252, %dma_wait3A_254] : memref<2x10240x128xf32, #tpu.memory_space<vmem>> -> memref<1x256x128xf32, #tpu.memory_space<vmem>>
        %dma_wait3A_256 = tpu.memref_squeeze %dma_wait3A_255 : memref<1x256x128xf32, #tpu.memory_space<vmem>> -> memref<256x128xf32, #tpu.memory_space<vmem>>
        %dma_wait3A_257 = arith.constant 0 : i32
        %dma_wait3A_258 = arith.constant 0 : i32
        %dma_wait3A_259 = tpu.memref_slice %arg2[%dma_wait3A_257, %dma_wait3A_258] : memref<176128x128xf32, #tpu.memory_space<hbm>> -> memref<256x128xf32, #tpu.memory_space<hbm>>
        tpu.wait_dma2 semaphore(%dma_wait3A_253 : memref<!tpu.dma_semaphore, #tpu.memory_space<semaphore_mem>>) src(%dma_wait3A_259 : memref<256x128xf32, #tpu.memory_space<hbm>>) dst(%dma_wait3A_256 : memref<256x128xf32, #tpu.memory_space<vmem>>)
        %while3A_260 = arith.constant 0 : i32
        scf.yield %while3A_260 : i32
      }
      %while3A_207 = arith.constant 1 : i32
      %while3A_208 = scf.for %while3A_249 = %while3A_204 to %while3A_200 step %while3A_207 iter_args(%while3A_250 = %while3A_206) -> (i32)  : i32 {
        %mul3A_251 = arith.constant 256 : i32
        %mul3A_252 = arith.muli %while3A_249, %mul3A_251 : i32
        %dma_wait3A = tpu.memref_slice %arg13[%select_n3A_115] : memref<2x!tpu.dma_semaphore, #tpu.memory_space<semaphore_mem>> -> memref<1x!tpu.dma_semaphore, #tpu.memory_space<semaphore_mem>>
        %dma_wait3A_253 = tpu.memref_squeeze %dma_wait3A : memref<1x!tpu.dma_semaphore, #tpu.memory_space<semaphore_mem>> -> memref<!tpu.dma_semaphore, #tpu.memory_space<semaphore_mem>>
        %dma_wait3A_254 = arith.constant 0 : i32
        %dma_wait3A_255 = tpu.memref_slice %arg12[%select_n3A_115, %mul3A_252, %dma_wait3A_254] : memref<2x10240x128xf32, #tpu.memory_space<vmem>> -> memref<1x256x128xf32, #tpu.memory_space<vmem>>
        %dma_wait3A_256 = tpu.memref_squeeze %dma_wait3A_255 : memref<1x256x128xf32, #tpu.memory_space<vmem>> -> memref<256x128xf32, #tpu.memory_space<vmem>>
        %dma_wait3A_257 = arith.constant 0 : i32
        %dma_wait3A_258 = arith.constant 0 : i32
        %dma_wait3A_259 = tpu.memref_slice %arg2[%dma_wait3A_257, %dma_wait3A_258] : memref<176128x128xf32, #tpu.memory_space<hbm>> -> memref<256x128xf32, #tpu.memory_space<hbm>>
        tpu.wait_dma2 semaphore(%dma_wait3A_253 : memref<!tpu.dma_semaphore, #tpu.memory_space<semaphore_mem>>) src(%dma_wait3A_259 : memref<256x128xf32, #tpu.memory_space<hbm>>) dst(%dma_wait3A_256 : memref<256x128xf32, #tpu.memory_space<vmem>>)
        %while3A_260 = arith.constant 0 : i32
        scf.yield %while3A_260 : i32
      }
      %add3A_209 = arith.constant 256 : i32
      %add3A_210 = arith.addi %while3A_99, %add3A_209 : i32
      %sub3A_211 = arith.constant 1 : i32
      %sub3A_212 = arith.subi %add3A_210, %sub3A_211 : i32
      %jit3A_213 = arith.constant 256 : i32
      %div3A_214 = arith.divsi %sub3A_212, %jit3A_213 : i32
      %sign3A_215 = arith.constant 0 : i32
      %sign3A_216 = arith.cmpi sgt, %sub3A_212, %sign3A_215 : i32
      %sign3A_217 = arith.extui %sign3A_216 : i1 to i32
      %sign3A_218 = arith.constant 0 : i32
      %sign3A_219 = arith.cmpi slt, %sub3A_212, %sign3A_218 : i32
      %sign3A_220 = arith.extui %sign3A_219 : i1 to i32
      %sign3A_221 = arith.subi %sign3A_217, %sign3A_220 : i32
      %sign3A_222 = arith.constant 0 : i32
      %sign3A_223 = arith.cmpi sgt, %jit3A_213, %sign3A_222 : i32
      %sign3A_224 = arith.extui %sign3A_223 : i1 to i32
      %sign3A_225 = arith.constant 0 : i32
      %sign3A_226 = arith.cmpi slt, %jit3A_213, %sign3A_225 : i32
      %sign3A_227 = arith.extui %sign3A_226 : i1 to i32
      %sign3A_228 = arith.subi %sign3A_224, %sign3A_227 : i32
      %ne3A_229 = arith.cmpi ne, %sign3A_221, %sign3A_228 : i32
      %rem3A_230 = arith.remsi %sub3A_212, %jit3A_213 : i32
      %ne3A_231 = arith.constant 0 : i32
      %ne3A_232 = arith.cmpi ne, %rem3A_230, %ne3A_231 : i32
      %and3A_233 = arith.andi %ne3A_229, %ne3A_232 : i1
      %sub3A_234 = arith.constant 1 : i32
      %sub3A_235 = arith.subi %div3A_214, %sub3A_234 : i32
      %select_n3A_236 = arith.select %and3A_233, %sub3A_235, %div3A_214 : i32
      %while3A_237 = arith.constant 0 : i32
      %while3A_238 = arith.constant 0 : i32
      %while3A_239 = arith.subi %select_n3A_236, %while3A_237 : i32
      %while3A_240 = arith.addi %while3A_237, %while3A_239 : i32
      %while3A_241 = arith.constant 1 : i32
      %while3A_242 = arith.divsi %while3A_239, %while3A_241 : i32
      %while3A_243 = arith.muli %while3A_242, %while3A_241 : i32
      %while3A_244 = arith.addi %while3A_237, %while3A_243 : i32
      %while3A_245 = arith.constant 1 : i32
      %while3A_246 = scf.for %while3A_249 = %while3A_237 to %while3A_244 step %while3A_245 iter_args(%while3A_250 = %while3A_238) -> (i32)  : i32 {
        %mul3A_251 = arith.constant 256 : i32
        %mul3A_252 = arith.muli %while3A_249, %mul3A_251 : i32
        %get3A_253 = arith.index_cast %select_n3A_115 : i32 to index
        %get3A_254 = arith.index_cast %mul3A_252 : i32 to index
        %get3A_255 = arith.constant 0 : index
        %get3A_256 = vector.load %arg12[%get3A_253, %get3A_254, %get3A_255] : memref<2x10240x128xf32, #tpu.memory_space<vmem>>, vector<1x256x128xf32>
        %get3A_257 = vector.shape_cast %get3A_256 : vector<1x256x128xf32> to vector<256x128xf32>
        %convert_element_type3A = arith.truncf %get3A_257 : vector<256x128xf32> to vector<256x128xbf16>
        %get3A_258 = arith.index_cast %mul3A_252 : i32 to index
        %get3A_259 = arith.constant 0 : index
        %get3A_260 = vector.load %arg11[%get3A_258, %get3A_259] : memref<12288x128xf32, #tpu.memory_space<vmem>>, vector<256x128xf32>
        %get3A_261 = arith.constant 0 : index
        %get3A_262 = arith.constant 0 : index
        %get3A_263 = vector.load %arg3[%get3A_261, %get3A_262] : memref<128x384xbf16, #tpu.memory_space<vmem>>, vector<128x384xbf16>
        %dot_general3A = arith.constant dense<0.000000e+00> : vector<256x384xf32>
        %dot_general3A_264 = tpu.matmul %convert_element_type3A, %get3A_263, %dot_general3A {dimension_numbers = #tpu.dot_dimension_numbers<[1], [0], [0], [1], [0, 0, 1, 1], [], []>, transpose_lhs_hint = false} : vector<256x128xbf16>, vector<128x384xbf16>, vector<256x384xf32> -> vector<256x384xf32>
        %get3A_265 = arith.constant 0 : index
        %get3A_266 = arith.constant 0 : index
        %get3A_267 = vector.load %arg5[%get3A_265, %get3A_266] : memref<1x384xf32, #tpu.memory_space<vmem>>, vector<1x384xf32>
        %add3A_268 = vector.broadcast %get3A_267 : vector<1x384xf32> to vector<256x384xf32>
        %add3A_269 = arith.addf %dot_general3A_264, %add3A_268 : vector<256x384xf32>
        %convert_element_type3A_270 = arith.truncf %get3A_260 : vector<256x128xf32> to vector<256x128xbf16>
        %get3A_271 = arith.constant 0 : index
        %get3A_272 = arith.constant 0 : index
        %get3A_273 = vector.load %arg4[%get3A_271, %get3A_272] : memref<128x384xbf16, #tpu.memory_space<vmem>>, vector<128x384xbf16>
        %dot_general3A_274 = arith.constant dense<0.000000e+00> : vector<256x384xf32>
        %dot_general3A_275 = tpu.matmul %convert_element_type3A_270, %get3A_273, %dot_general3A_274 {dimension_numbers = #tpu.dot_dimension_numbers<[1], [0], [0], [1], [0, 0, 1, 1], [], []>, transpose_lhs_hint = false} : vector<256x128xbf16>, vector<128x384xbf16>, vector<256x384xf32> -> vector<256x384xf32>
        %get3A_276 = arith.constant 0 : index
        %get3A_277 = arith.constant 0 : index
        %get3A_278 = vector.load %arg6[%get3A_276, %get3A_277] : memref<1x384xf32, #tpu.memory_space<vmem>>, vector<1x384xf32>
        %add3A_279 = vector.broadcast %get3A_278 : vector<1x384xf32> to vector<256x384xf32>
        %add3A_280 = arith.addf %dot_general3A_275, %add3A_279 : vector<256x384xf32>
        %slice3A = vector.extract_strided_slice %add3A_269 {offsets = [0, 0], sizes = [256, 128], strides = [1, 1]} : vector<256x384xf32> to vector<256x128xf32>
        %slice3A_281 = vector.extract_strided_slice %add3A_280 {offsets = [0, 0], sizes = [256, 128], strides = [1, 1]} : vector<256x384xf32> to vector<256x128xf32>
        %add3A_282 = arith.addf %slice3A, %slice3A_281 : vector<256x128xf32>
        %logistic3A = arith.negf %add3A_282 : vector<256x128xf32>
        %logistic3A_283 = math.exp %logistic3A : vector<256x128xf32>
        %logistic3A_284 = arith.constant 1.000000e+00 : f32
        %logistic3A_285 = vector.broadcast %logistic3A_284 : f32 to vector<256x128xf32>
        %logistic3A_286 = arith.addf %logistic3A_285, %logistic3A_283 : vector<256x128xf32>
        %logistic3A_287 = arith.divf %logistic3A_285, %logistic3A_286 : vector<256x128xf32>
        %slice3A_288 = vector.extract_strided_slice %add3A_269 {offsets = [0, 128], sizes = [256, 128], strides = [1, 1]} : vector<256x384xf32> to vector<256x128xf32>
        %slice3A_289 = vector.extract_strided_slice %add3A_280 {offsets = [0, 128], sizes = [256, 128], strides = [1, 1]} : vector<256x384xf32> to vector<256x128xf32>
        %add3A_290 = arith.addf %slice3A_288, %slice3A_289 : vector<256x128xf32>
        %logistic3A_291 = arith.negf %add3A_290 : vector<256x128xf32>
        %logistic3A_292 = math.exp %logistic3A_291 : vector<256x128xf32>
        %logistic3A_293 = arith.constant 1.000000e+00 : f32
        %logistic3A_294 = vector.broadcast %logistic3A_293 : f32 to vector<256x128xf32>
        %logistic3A_295 = arith.addf %logistic3A_294, %logistic3A_292 : vector<256x128xf32>
        %logistic3A_296 = arith.divf %logistic3A_294, %logistic3A_295 : vector<256x128xf32>
        %slice3A_297 = vector.extract_strided_slice %add3A_269 {offsets = [0, 256], sizes = [256, 128], strides = [1, 1]} : vector<256x384xf32> to vector<256x128xf32>
        %slice3A_298 = vector.extract_strided_slice %add3A_280 {offsets = [0, 256], sizes = [256, 128], strides = [1, 1]} : vector<256x384xf32> to vector<256x128xf32>
        %mul3A_299 = arith.mulf %logistic3A_287, %slice3A_298 : vector<256x128xf32>
        %add3A_300 = arith.addf %slice3A_297, %mul3A_299 : vector<256x128xf32>
        %tanh3A = math.tanh %add3A_300 : vector<256x128xf32>
        %sub3A_301 = arith.constant 1.000000e+00 : f32
        %sub3A_302 = vector.broadcast %sub3A_301 : f32 to vector<256x128xf32>
        %sub3A_303 = arith.subf %sub3A_302, %logistic3A_296 : vector<256x128xf32>
        %mul3A_304 = arith.mulf %sub3A_303, %tanh3A : vector<256x128xf32>
        %mul3A_305 = arith.mulf %logistic3A_296, %get3A_260 : vector<256x128xf32>
        %add3A_306 = arith.addf %mul3A_304, %mul3A_305 : vector<256x128xf32>
        %iota3A = tpu.iota {dimensions = array<i32: 0>} : vector<256x1xi32>
        %add3A_307 = vector.broadcast %mul3A_252 : i32 to vector<256x1xi32>
        %add3A_308 = arith.addi %add3A_307, %iota3A : vector<256x1xi32>
        %lt3A_309 = vector.broadcast %while3A_99 : i32 to vector<256x1xi32>
        %lt3A_310 = arith.cmpi slt, %add3A_308, %lt3A_309 : vector<256x1xi32>
        %broadcast_in_dim3A_311 = vector.shape_cast %lt3A_310 : vector<256x1xi1> to vector<256x1xi1>
        %broadcast_in_dim3A_312 = vector.broadcast %broadcast_in_dim3A_311 : vector<256x1xi1> to vector<256x128xi1>
        %select_n3A_313 = arith.select %broadcast_in_dim3A_312, %add3A_306, %get3A_260 : vector<256x128xi1>, vector<256x128xf32>
        %swap3A_314 = arith.index_cast %mul3A_252 : i32 to index
        %swap3A_315 = arith.constant 0 : index
        %swap3A_316 = vector.load %arg11[%swap3A_314, %swap3A_315] : memref<12288x128xf32, #tpu.memory_space<vmem>>, vector<256x128xf32>
        tpu.vector_store %arg11[%swap3A_314, %swap3A_315], %select_n3A_313 {strides = array<i32>} : memref<12288x128xf32, #tpu.memory_space<vmem>>, vector<256x128xf32>,
        %while3A_317 = arith.constant 0 : i32
        scf.yield %while3A_317 : i32
      }
      %while3A_247 = arith.constant 1 : i32
      %while3A_248 = scf.for %while3A_249 = %while3A_244 to %while3A_240 step %while3A_247 iter_args(%while3A_250 = %while3A_246) -> (i32)  : i32 {
        %mul3A_251 = arith.constant 256 : i32
        %mul3A_252 = arith.muli %while3A_249, %mul3A_251 : i32
        %get3A_253 = arith.index_cast %select_n3A_115 : i32 to index
        %get3A_254 = arith.index_cast %mul3A_252 : i32 to index
        %get3A_255 = arith.constant 0 : index
        %get3A_256 = vector.load %arg12[%get3A_253, %get3A_254, %get3A_255] : memref<2x10240x128xf32, #tpu.memory_space<vmem>>, vector<1x256x128xf32>
        %get3A_257 = vector.shape_cast %get3A_256 : vector<1x256x128xf32> to vector<256x128xf32>
        %convert_element_type3A = arith.truncf %get3A_257 : vector<256x128xf32> to vector<256x128xbf16>
        %get3A_258 = arith.index_cast %mul3A_252 : i32 to index
        %get3A_259 = arith.constant 0 : index
        %get3A_260 = vector.load %arg11[%get3A_258, %get3A_259] : memref<12288x128xf32, #tpu.memory_space<vmem>>, vector<256x128xf32>
        %get3A_261 = arith.constant 0 : index
        %get3A_262 = arith.constant 0 : index
        %get3A_263 = vector.load %arg3[%get3A_261, %get3A_262] : memref<128x384xbf16, #tpu.memory_space<vmem>>, vector<128x384xbf16>
        %dot_general3A = arith.constant dense<0.000000e+00> : vector<256x384xf32>
        %dot_general3A_264 = tpu.matmul %convert_element_type3A, %get3A_263, %dot_general3A {dimension_numbers = #tpu.dot_dimension_numbers<[1], [0], [0], [1], [0, 0, 1, 1], [], []>, transpose_lhs_hint = false} : vector<256x128xbf16>, vector<128x384xbf16>, vector<256x384xf32> -> vector<256x384xf32>
        %get3A_265 = arith.constant 0 : index
        %get3A_266 = arith.constant 0 : index
        %get3A_267 = vector.load %arg5[%get3A_265, %get3A_266] : memref<1x384xf32, #tpu.memory_space<vmem>>, vector<1x384xf32>
        %add3A_268 = vector.broadcast %get3A_267 : vector<1x384xf32> to vector<256x384xf32>
        %add3A_269 = arith.addf %dot_general3A_264, %add3A_268 : vector<256x384xf32>
        %convert_element_type3A_270 = arith.truncf %get3A_260 : vector<256x128xf32> to vector<256x128xbf16>
        %get3A_271 = arith.constant 0 : index
        %get3A_272 = arith.constant 0 : index
        %get3A_273 = vector.load %arg4[%get3A_271, %get3A_272] : memref<128x384xbf16, #tpu.memory_space<vmem>>, vector<128x384xbf16>
        %dot_general3A_274 = arith.constant dense<0.000000e+00> : vector<256x384xf32>
        %dot_general3A_275 = tpu.matmul %convert_element_type3A_270, %get3A_273, %dot_general3A_274 {dimension_numbers = #tpu.dot_dimension_numbers<[1], [0], [0], [1], [0, 0, 1, 1], [], []>, transpose_lhs_hint = false} : vector<256x128xbf16>, vector<128x384xbf16>, vector<256x384xf32> -> vector<256x384xf32>
        %get3A_276 = arith.constant 0 : index
        %get3A_277 = arith.constant 0 : index
        %get3A_278 = vector.load %arg6[%get3A_276, %get3A_277] : memref<1x384xf32, #tpu.memory_space<vmem>>, vector<1x384xf32>
        %add3A_279 = vector.broadcast %get3A_278 : vector<1x384xf32> to vector<256x384xf32>
        %add3A_280 = arith.addf %dot_general3A_275, %add3A_279 : vector<256x384xf32>
        %slice3A = vector.extract_strided_slice %add3A_269 {offsets = [0, 0], sizes = [256, 128], strides = [1, 1]} : vector<256x384xf32> to vector<256x128xf32>
        %slice3A_281 = vector.extract_strided_slice %add3A_280 {offsets = [0, 0], sizes = [256, 128], strides = [1, 1]} : vector<256x384xf32> to vector<256x128xf32>
        %add3A_282 = arith.addf %slice3A, %slice3A_281 : vector<256x128xf32>
        %logistic3A = arith.negf %add3A_282 : vector<256x128xf32>
        %logistic3A_283 = math.exp %logistic3A : vector<256x128xf32>
        %logistic3A_284 = arith.constant 1.000000e+00 : f32
        %logistic3A_285 = vector.broadcast %logistic3A_284 : f32 to vector<256x128xf32>
        %logistic3A_286 = arith.addf %logistic3A_285, %logistic3A_283 : vector<256x128xf32>
        %logistic3A_287 = arith.divf %logistic3A_285, %logistic3A_286 : vector<256x128xf32>
        %slice3A_288 = vector.extract_strided_slice %add3A_269 {offsets = [0, 128], sizes = [256, 128], strides = [1, 1]} : vector<256x384xf32> to vector<256x128xf32>
        %slice3A_289 = vector.extract_strided_slice %add3A_280 {offsets = [0, 128], sizes = [256, 128], strides = [1, 1]} : vector<256x384xf32> to vector<256x128xf32>
        %add3A_290 = arith.addf %slice3A_288, %slice3A_289 : vector<256x128xf32>
        %logistic3A_291 = arith.negf %add3A_290 : vector<256x128xf32>
        %logistic3A_292 = math.exp %logistic3A_291 : vector<256x128xf32>
        %logistic3A_293 = arith.constant 1.000000e+00 : f32
        %logistic3A_294 = vector.broadcast %logistic3A_293 : f32 to vector<256x128xf32>
        %logistic3A_295 = arith.addf %logistic3A_294, %logistic3A_292 : vector<256x128xf32>
        %logistic3A_296 = arith.divf %logistic3A_294, %logistic3A_295 : vector<256x128xf32>
        %slice3A_297 = vector.extract_strided_slice %add3A_269 {offsets = [0, 256], sizes = [256, 128], strides = [1, 1]} : vector<256x384xf32> to vector<256x128xf32>
        %slice3A_298 = vector.extract_strided_slice %add3A_280 {offsets = [0, 256], sizes = [256, 128], strides = [1, 1]} : vector<256x384xf32> to vector<256x128xf32>
        %mul3A_299 = arith.mulf %logistic3A_287, %slice3A_298 : vector<256x128xf32>
        %add3A_300 = arith.addf %slice3A_297, %mul3A_299 : vector<256x128xf32>
        %tanh3A = math.tanh %add3A_300 : vector<256x128xf32>
        %sub3A_301 = arith.constant 1.000000e+00 : f32
        %sub3A_302 = vector.broadcast %sub3A_301 : f32 to vector<256x128xf32>
        %sub3A_303 = arith.subf %sub3A_302, %logistic3A_296 : vector<256x128xf32>
        %mul3A_304 = arith.mulf %sub3A_303, %tanh3A : vector<256x128xf32>
        %mul3A_305 = arith.mulf %logistic3A_296, %get3A_260 : vector<256x128xf32>
        %add3A_306 = arith.addf %mul3A_304, %mul3A_305 : vector<256x128xf32>
        %iota3A = tpu.iota {dimensions = array<i32: 0>} : vector<256x1xi32>
        %add3A_307 = vector.broadcast %mul3A_252 : i32 to vector<256x1xi32>
        %add3A_308 = arith.addi %add3A_307, %iota3A : vector<256x1xi32>
        %lt3A_309 = vector.broadcast %while3A_99 : i32 to vector<256x1xi32>
        %lt3A_310 = arith.cmpi slt, %add3A_308, %lt3A_309 : vector<256x1xi32>
        %broadcast_in_dim3A_311 = vector.shape_cast %lt3A_310 : vector<256x1xi1> to vector<256x1xi1>
        %broadcast_in_dim3A_312 = vector.broadcast %broadcast_in_dim3A_311 : vector<256x1xi1> to vector<256x128xi1>
        %select_n3A_313 = arith.select %broadcast_in_dim3A_312, %add3A_306, %get3A_260 : vector<256x128xi1>, vector<256x128xf32>
        %swap3A_314 = arith.index_cast %mul3A_252 : i32 to index
        %swap3A_315 = arith.constant 0 : index
        %swap3A_316 = vector.load %arg11[%swap3A_314, %swap3A_315] : memref<12288x128xf32, #tpu.memory_space<vmem>>, vector<256x128xf32>
        tpu.vector_store %arg11[%swap3A_314, %swap3A_315], %select_n3A_313 {strides = array<i32>} : memref<12288x128xf32, #tpu.memory_space<vmem>>, vector<256x128xf32>,
        %while3A_317 = arith.constant 0 : i32
        scf.yield %while3A_317 : i32
      }
      scf.yield %add3A_116, %scan3A_125#0 : i32, i32
    }
    %while3A_48 = arith.constant 1 : i32
    %while3A_49:2 = scf.for %while3A_97 = %while3A_45 to %while3A_41 step %while3A_48 iter_args(%while3A_98 = %while3A_47#0, %while3A_99 = %while3A_47#1) -> (i32, i32)  : i32 {
      %jit3A_100 = arith.constant 2 : i32
      %eq3A_101 = arith.constant 0 : i32
      %eq3A_102 = arith.cmpi eq, %jit3A_100, %eq3A_101 : i32
      %jit3A_103 = arith.constant 1 : i32
      %select_n3A_104 = arith.select %eq3A_102, %jit3A_103, %jit3A_100 : i32
      %rem3A_105 = arith.remsi %while3A_97, %select_n3A_104 : i32
      %ne3A_106 = arith.constant 0 : i32
      %ne3A_107 = arith.cmpi ne, %rem3A_105, %ne3A_106 : i32
      %lt3A_108 = arith.constant 0 : i32
      %lt3A_109 = arith.cmpi slt, %rem3A_105, %lt3A_108 : i32
      %lt3A_110 = arith.constant 0 : i32
      %lt3A_111 = arith.cmpi slt, %select_n3A_104, %lt3A_110 : i32
      %ne3A_112 = arith.xori %lt3A_109, %lt3A_111 : i1
      %and3A_113 = arith.andi %ne3A_112, %ne3A_107 : i1
      %add3A_114 = arith.addi %rem3A_105, %select_n3A_104 : i32
      %select_n3A_115 = arith.select %and3A_113, %add3A_114, %rem3A_105 : i32
      %add3A_116 = arith.addi %while3A_98, %while3A_99 : i32
      %add3A_117 = arith.constant 1 : i32
      %add3A_118 = arith.addi %while3A_97, %add3A_117 : i32
      %scan3A_119 = arith.constant 0 : i32
      %scan3A_120 = arith.constant 12288 : i32
      %scan3A_121 = arith.constant 0 : i32
      %scan3A_122 = arith.constant 14 : i32
      %scan3A_123 = arith.addi %scan3A_121, %scan3A_122 : i32
      %scan3A_124 = arith.constant 1 : i32
      %scan3A_125:2 = scf.for %scan3A_249 = %scan3A_121 to %scan3A_123 step %scan3A_124 iter_args(%scan3A_250 = %scan3A_119, %scan3A_251 = %scan3A_120) -> (i32, i32)  : i32 {
        %add3A_252 = arith.addi %scan3A_250, %scan3A_251 : i32
        %jit3A_253 = arith.constant 2 : i32
        %div3A_254 = arith.divsi %add3A_252, %jit3A_253 : i32
        %sign3A_255 = arith.constant 0 : i32
        %sign3A_256 = arith.cmpi sgt, %add3A_252, %sign3A_255 : i32
        %sign3A_257 = arith.extui %sign3A_256 : i1 to i32
        %sign3A_258 = arith.constant 0 : i32
        %sign3A_259 = arith.cmpi slt, %add3A_252, %sign3A_258 : i32
        %sign3A_260 = arith.extui %sign3A_259 : i1 to i32
        %sign3A_261 = arith.subi %sign3A_257, %sign3A_260 : i32
        %sign3A_262 = arith.constant 0 : i32
        %sign3A_263 = arith.cmpi sgt, %jit3A_253, %sign3A_262 : i32
        %sign3A_264 = arith.extui %sign3A_263 : i1 to i32
        %sign3A_265 = arith.constant 0 : i32
        %sign3A_266 = arith.cmpi slt, %jit3A_253, %sign3A_265 : i32
        %sign3A_267 = arith.extui %sign3A_266 : i1 to i32
        %sign3A_268 = arith.subi %sign3A_264, %sign3A_267 : i32
        %ne3A_269 = arith.cmpi ne, %sign3A_261, %sign3A_268 : i32
        %rem3A_270 = arith.remsi %add3A_252, %jit3A_253 : i32
        %ne3A_271 = arith.constant 0 : i32
        %ne3A_272 = arith.cmpi ne, %rem3A_270, %ne3A_271 : i32
        %and3A_273 = arith.andi %ne3A_269, %ne3A_272 : i1
        %sub3A_274 = arith.constant 1 : i32
        %sub3A_275 = arith.subi %div3A_254, %sub3A_274 : i32
        %select_n3A_276 = arith.select %and3A_273, %sub3A_275, %div3A_254 : i32
        %get3A_277 = arith.index_cast %select_n3A_276 : i32 to index
        %get3A_278 = memref.load %arg1[%get3A_277] : memref<12296xi32, #tpu.memory_space<smem>>
        %gt3A = arith.cmpi sgt, %get3A_278, %add3A_118 : i32
        %add3A_279 = arith.constant 1 : i32
        %add3A_280 = arith.addi %select_n3A_276, %add3A_279 : i32
        %select_n3A_281 = arith.select %gt3A, %add3A_280, %scan3A_250 : i32
        %select_n3A_282 = arith.select %gt3A, %scan3A_251, %select_n3A_276 : i32
        scf.yield %select_n3A_281, %select_n3A_282 : i32, i32
      }
      %scan3A_126 = arith.constant 14 : i32
      %sub3A_127 = arith.constant 1 : i32
      %sub3A_128 = arith.subi %sub3A_127, %select_n3A_115 : i32
      %add3A_129 = arith.constant 256 : i32
      %add3A_130 = arith.addi %scan3A_125#0, %add3A_129 : i32
      %sub3A_131 = arith.constant 1 : i32
      %sub3A_132 = arith.subi %add3A_130, %sub3A_131 : i32
      %jit3A_133 = arith.constant 256 : i32
      %div3A_134 = arith.divsi %sub3A_132, %jit3A_133 : i32
      %sign3A_135 = arith.constant 0 : i32
      %sign3A_136 = arith.cmpi sgt, %sub3A_132, %sign3A_135 : i32
      %sign3A_137 = arith.extui %sign3A_136 : i1 to i32
      %sign3A_138 = arith.constant 0 : i32
      %sign3A_139 = arith.cmpi slt, %sub3A_132, %sign3A_138 : i32
      %sign3A_140 = arith.extui %sign3A_139 : i1 to i32
      %sign3A_141 = arith.subi %sign3A_137, %sign3A_140 : i32
      %sign3A_142 = arith.constant 0 : i32
      %sign3A_143 = arith.cmpi sgt, %jit3A_133, %sign3A_142 : i32
      %sign3A_144 = arith.extui %sign3A_143 : i1 to i32
      %sign3A_145 = arith.constant 0 : i32
      %sign3A_146 = arith.cmpi slt, %jit3A_133, %sign3A_145 : i32
      %sign3A_147 = arith.extui %sign3A_146 : i1 to i32
      %sign3A_148 = arith.subi %sign3A_144, %sign3A_147 : i32
      %ne3A_149 = arith.cmpi ne, %sign3A_141, %sign3A_148 : i32
      %rem3A_150 = arith.remsi %sub3A_132, %jit3A_133 : i32
      %ne3A_151 = arith.constant 0 : i32
      %ne3A_152 = arith.cmpi ne, %rem3A_150, %ne3A_151 : i32
      %and3A_153 = arith.andi %ne3A_149, %ne3A_152 : i1
      %sub3A_154 = arith.constant 1 : i32
      %sub3A_155 = arith.subi %div3A_134, %sub3A_154 : i32
      %select_n3A_156 = arith.select %and3A_153, %sub3A_155, %div3A_134 : i32
      %while3A_157 = arith.constant 0 : i32
      %while3A_158 = arith.constant 0 : i32
      %while3A_159 = arith.subi %select_n3A_156, %while3A_157 : i32
      %while3A_160 = arith.addi %while3A_157, %while3A_159 : i32
      %while3A_161 = arith.constant 1 : i32
      %while3A_162 = arith.divsi %while3A_159, %while3A_161 : i32
      %while3A_163 = arith.muli %while3A_162, %while3A_161 : i32
      %while3A_164 = arith.addi %while3A_157, %while3A_163 : i32
      %while3A_165 = arith.constant 1 : i32
      %while3A_166 = scf.for %while3A_249 = %while3A_157 to %while3A_164 step %while3A_165 iter_args(%while3A_250 = %while3A_158) -> (i32)  : i32 {
        %mul3A_251 = arith.constant 256 : i32
        %mul3A_252 = arith.muli %while3A_249, %mul3A_251 : i32
        %add3A_253 = arith.addi %add3A_116, %mul3A_252 : i32
        %mul3A_254 = arith.constant 256 : i32
        %mul3A_255 = arith.muli %while3A_249, %mul3A_254 : i32
        %dma_start3A_256 = tpu.memref_slice %arg13[%sub3A_128] : memref<2x!tpu.dma_semaphore, #tpu.memory_space<semaphore_mem>> -> memref<1x!tpu.dma_semaphore, #tpu.memory_space<semaphore_mem>>
        %dma_start3A_257 = tpu.memref_squeeze %dma_start3A_256 : memref<1x!tpu.dma_semaphore, #tpu.memory_space<semaphore_mem>> -> memref<!tpu.dma_semaphore, #tpu.memory_space<semaphore_mem>>
        %dma_start3A_258 = arith.constant 0 : i32
        %dma_start3A_259 = tpu.memref_slice %arg12[%sub3A_128, %mul3A_255, %dma_start3A_258] : memref<2x10240x128xf32, #tpu.memory_space<vmem>> -> memref<1x256x128xf32, #tpu.memory_space<vmem>>
        %dma_start3A_260 = tpu.memref_squeeze %dma_start3A_259 : memref<1x256x128xf32, #tpu.memory_space<vmem>> -> memref<256x128xf32, #tpu.memory_space<vmem>>
        %dma_start3A_261 = arith.constant 0 : i32
        %dma_start3A_262 = tpu.memref_slice %arg2[%add3A_253, %dma_start3A_261] : memref<176128x128xf32, #tpu.memory_space<hbm>> -> memref<256x128xf32, #tpu.memory_space<hbm>>
        tpu.enqueue_dma source(%dma_start3A_262 : memref<256x128xf32, #tpu.memory_space<hbm>>) target(%dma_start3A_260 : memref<256x128xf32, #tpu.memory_space<vmem>>) target_semaphore(%dma_start3A_257 : memref<!tpu.dma_semaphore, #tpu.memory_space<semaphore_mem>>)
        %while3A_263 = arith.constant 0 : i32
        scf.yield %while3A_263 : i32
      }
      %while3A_167 = arith.constant 1 : i32
      %while3A_168 = scf.for %while3A_249 = %while3A_164 to %while3A_160 step %while3A_167 iter_args(%while3A_250 = %while3A_166) -> (i32)  : i32 {
        %mul3A_251 = arith.constant 256 : i32
        %mul3A_252 = arith.muli %while3A_249, %mul3A_251 : i32
        %add3A_253 = arith.addi %add3A_116, %mul3A_252 : i32
        %mul3A_254 = arith.constant 256 : i32
        %mul3A_255 = arith.muli %while3A_249, %mul3A_254 : i32
        %dma_start3A_256 = tpu.memref_slice %arg13[%sub3A_128] : memref<2x!tpu.dma_semaphore, #tpu.memory_space<semaphore_mem>> -> memref<1x!tpu.dma_semaphore, #tpu.memory_space<semaphore_mem>>
        %dma_start3A_257 = tpu.memref_squeeze %dma_start3A_256 : memref<1x!tpu.dma_semaphore, #tpu.memory_space<semaphore_mem>> -> memref<!tpu.dma_semaphore, #tpu.memory_space<semaphore_mem>>
        %dma_start3A_258 = arith.constant 0 : i32
        %dma_start3A_259 = tpu.memref_slice %arg12[%sub3A_128, %mul3A_255, %dma_start3A_258] : memref<2x10240x128xf32, #tpu.memory_space<vmem>> -> memref<1x256x128xf32, #tpu.memory_space<vmem>>
        %dma_start3A_260 = tpu.memref_squeeze %dma_start3A_259 : memref<1x256x128xf32, #tpu.memory_space<vmem>> -> memref<256x128xf32, #tpu.memory_space<vmem>>
        %dma_start3A_261 = arith.constant 0 : i32
        %dma_start3A_262 = tpu.memref_slice %arg2[%add3A_253, %dma_start3A_261] : memref<176128x128xf32, #tpu.memory_space<hbm>> -> memref<256x128xf32, #tpu.memory_space<hbm>>
        tpu.enqueue_dma source(%dma_start3A_262 : memref<256x128xf32, #tpu.memory_space<hbm>>) target(%dma_start3A_260 : memref<256x128xf32, #tpu.memory_space<vmem>>) target_semaphore(%dma_start3A_257 : memref<!tpu.dma_semaphore, #tpu.memory_space<semaphore_mem>>)
        %while3A_263 = arith.constant 0 : i32
        scf.yield %while3A_263 : i32
      }
      %add3A_169 = arith.constant 256 : i32
      %add3A_170 = arith.addi %while3A_99, %add3A_169 : i32
      %sub3A_171 = arith.constant 1 : i32
      %sub3A_172 = arith.subi %add3A_170, %sub3A_171 : i32
      %jit3A_173 = arith.constant 256 : i32
      %div3A_174 = arith.divsi %sub3A_172, %jit3A_173 : i32
      %sign3A_175 = arith.constant 0 : i32
      %sign3A_176 = arith.cmpi sgt, %sub3A_172, %sign3A_175 : i32
      %sign3A_177 = arith.extui %sign3A_176 : i1 to i32
      %sign3A_178 = arith.constant 0 : i32
      %sign3A_179 = arith.cmpi slt, %sub3A_172, %sign3A_178 : i32
      %sign3A_180 = arith.extui %sign3A_179 : i1 to i32
      %sign3A_181 = arith.subi %sign3A_177, %sign3A_180 : i32
      %sign3A_182 = arith.constant 0 : i32
      %sign3A_183 = arith.cmpi sgt, %jit3A_173, %sign3A_182 : i32
      %sign3A_184 = arith.extui %sign3A_183 : i1 to i32
      %sign3A_185 = arith.constant 0 : i32
      %sign3A_186 = arith.cmpi slt, %jit3A_173, %sign3A_185 : i32
      %sign3A_187 = arith.extui %sign3A_186 : i1 to i32
      %sign3A_188 = arith.subi %sign3A_184, %sign3A_187 : i32
      %ne3A_189 = arith.cmpi ne, %sign3A_181, %sign3A_188 : i32
      %rem3A_190 = arith.remsi %sub3A_172, %jit3A_173 : i32
      %ne3A_191 = arith.constant 0 : i32
      %ne3A_192 = arith.cmpi ne, %rem3A_190, %ne3A_191 : i32
      %and3A_193 = arith.andi %ne3A_189, %ne3A_192 : i1
      %sub3A_194 = arith.constant 1 : i32
      %sub3A_195 = arith.subi %div3A_174, %sub3A_194 : i32
      %select_n3A_196 = arith.select %and3A_193, %sub3A_195, %div3A_174 : i32
      %while3A_197 = arith.constant 0 : i32
      %while3A_198 = arith.constant 0 : i32
      %while3A_199 = arith.subi %select_n3A_196, %while3A_197 : i32
      %while3A_200 = arith.addi %while3A_197, %while3A_199 : i32
      %while3A_201 = arith.constant 1 : i32
      %while3A_202 = arith.divsi %while3A_199, %while3A_201 : i32
      %while3A_203 = arith.muli %while3A_202, %while3A_201 : i32
      %while3A_204 = arith.addi %while3A_197, %while3A_203 : i32
      %while3A_205 = arith.constant 1 : i32
      %while3A_206 = scf.for %while3A_249 = %while3A_197 to %while3A_204 step %while3A_205 iter_args(%while3A_250 = %while3A_198) -> (i32)  : i32 {
        %mul3A_251 = arith.constant 256 : i32
        %mul3A_252 = arith.muli %while3A_249, %mul3A_251 : i32
        %dma_wait3A = tpu.memref_slice %arg13[%select_n3A_115] : memref<2x!tpu.dma_semaphore, #tpu.memory_space<semaphore_mem>> -> memref<1x!tpu.dma_semaphore, #tpu.memory_space<semaphore_mem>>
        %dma_wait3A_253 = tpu.memref_squeeze %dma_wait3A : memref<1x!tpu.dma_semaphore, #tpu.memory_space<semaphore_mem>> -> memref<!tpu.dma_semaphore, #tpu.memory_space<semaphore_mem>>
        %dma_wait3A_254 = arith.constant 0 : i32
        %dma_wait3A_255 = tpu.memref_slice %arg12[%select_n3A_115, %mul3A_252, %dma_wait3A_254] : memref<2x10240x128xf32, #tpu.memory_space<vmem>> -> memref<1x256x128xf32, #tpu.memory_space<vmem>>
        %dma_wait3A_256 = tpu.memref_squeeze %dma_wait3A_255 : memref<1x256x128xf32, #tpu.memory_space<vmem>> -> memref<256x128xf32, #tpu.memory_space<vmem>>
        %dma_wait3A_257 = arith.constant 0 : i32
        %dma_wait3A_258 = arith.constant 0 : i32
        %dma_wait3A_259 = tpu.memref_slice %arg2[%dma_wait3A_257, %dma_wait3A_258] : memref<176128x128xf32, #tpu.memory_space<hbm>> -> memref<256x128xf32, #tpu.memory_space<hbm>>
        tpu.wait_dma2 semaphore(%dma_wait3A_253 : memref<!tpu.dma_semaphore, #tpu.memory_space<semaphore_mem>>) src(%dma_wait3A_259 : memref<256x128xf32, #tpu.memory_space<hbm>>) dst(%dma_wait3A_256 : memref<256x128xf32, #tpu.memory_space<vmem>>)
        %while3A_260 = arith.constant 0 : i32
        scf.yield %while3A_260 : i32
      }
      %while3A_207 = arith.constant 1 : i32
      %while3A_208 = scf.for %while3A_249 = %while3A_204 to %while3A_200 step %while3A_207 iter_args(%while3A_250 = %while3A_206) -> (i32)  : i32 {
        %mul3A_251 = arith.constant 256 : i32
        %mul3A_252 = arith.muli %while3A_249, %mul3A_251 : i32
        %dma_wait3A = tpu.memref_slice %arg13[%select_n3A_115] : memref<2x!tpu.dma_semaphore, #tpu.memory_space<semaphore_mem>> -> memref<1x!tpu.dma_semaphore, #tpu.memory_space<semaphore_mem>>
        %dma_wait3A_253 = tpu.memref_squeeze %dma_wait3A : memref<1x!tpu.dma_semaphore, #tpu.memory_space<semaphore_mem>> -> memref<!tpu.dma_semaphore, #tpu.memory_space<semaphore_mem>>
        %dma_wait3A_254 = arith.constant 0 : i32
        %dma_wait3A_255 = tpu.memref_slice %arg12[%select_n3A_115, %mul3A_252, %dma_wait3A_254] : memref<2x10240x128xf32, #tpu.memory_space<vmem>> -> memref<1x256x128xf32, #tpu.memory_space<vmem>>
        %dma_wait3A_256 = tpu.memref_squeeze %dma_wait3A_255 : memref<1x256x128xf32, #tpu.memory_space<vmem>> -> memref<256x128xf32, #tpu.memory_space<vmem>>
        %dma_wait3A_257 = arith.constant 0 : i32
        %dma_wait3A_258 = arith.constant 0 : i32
        %dma_wait3A_259 = tpu.memref_slice %arg2[%dma_wait3A_257, %dma_wait3A_258] : memref<176128x128xf32, #tpu.memory_space<hbm>> -> memref<256x128xf32, #tpu.memory_space<hbm>>
        tpu.wait_dma2 semaphore(%dma_wait3A_253 : memref<!tpu.dma_semaphore, #tpu.memory_space<semaphore_mem>>) src(%dma_wait3A_259 : memref<256x128xf32, #tpu.memory_space<hbm>>) dst(%dma_wait3A_256 : memref<256x128xf32, #tpu.memory_space<vmem>>)
        %while3A_260 = arith.constant 0 : i32
        scf.yield %while3A_260 : i32
      }
      %add3A_209 = arith.constant 256 : i32
      %add3A_210 = arith.addi %while3A_99, %add3A_209 : i32
      %sub3A_211 = arith.constant 1 : i32
      %sub3A_212 = arith.subi %add3A_210, %sub3A_211 : i32
      %jit3A_213 = arith.constant 256 : i32
      %div3A_214 = arith.divsi %sub3A_212, %jit3A_213 : i32
      %sign3A_215 = arith.constant 0 : i32
      %sign3A_216 = arith.cmpi sgt, %sub3A_212, %sign3A_215 : i32
      %sign3A_217 = arith.extui %sign3A_216 : i1 to i32
      %sign3A_218 = arith.constant 0 : i32
      %sign3A_219 = arith.cmpi slt, %sub3A_212, %sign3A_218 : i32
      %sign3A_220 = arith.extui %sign3A_219 : i1 to i32
      %sign3A_221 = arith.subi %sign3A_217, %sign3A_220 : i32
      %sign3A_222 = arith.constant 0 : i32
      %sign3A_223 = arith.cmpi sgt, %jit3A_213, %sign3A_222 : i32
      %sign3A_224 = arith.extui %sign3A_223 : i1 to i32
      %sign3A_225 = arith.constant 0 : i32
      %sign3A_226 = arith.cmpi slt, %jit3A_213, %sign3A_225 : i32
      %sign3A_227 = arith.extui %sign3A_226 : i1 to i32
      %sign3A_228 = arith.subi %sign3A_224, %sign3A_227 : i32
      %ne3A_229 = arith.cmpi ne, %sign3A_221, %sign3A_228 : i32
      %rem3A_230 = arith.remsi %sub3A_212, %jit3A_213 : i32
      %ne3A_231 = arith.constant 0 : i32
      %ne3A_232 = arith.cmpi ne, %rem3A_230, %ne3A_231 : i32
      %and3A_233 = arith.andi %ne3A_229, %ne3A_232 : i1
      %sub3A_234 = arith.constant 1 : i32
      %sub3A_235 = arith.subi %div3A_214, %sub3A_234 : i32
      %select_n3A_236 = arith.select %and3A_233, %sub3A_235, %div3A_214 : i32
      %while3A_237 = arith.constant 0 : i32
      %while3A_238 = arith.constant 0 : i32
      %while3A_239 = arith.subi %select_n3A_236, %while3A_237 : i32
      %while3A_240 = arith.addi %while3A_237, %while3A_239 : i32
      %while3A_241 = arith.constant 1 : i32
      %while3A_242 = arith.divsi %while3A_239, %while3A_241 : i32
      %while3A_243 = arith.muli %while3A_242, %while3A_241 : i32
      %while3A_244 = arith.addi %while3A_237, %while3A_243 : i32
      %while3A_245 = arith.constant 1 : i32
      %while3A_246 = scf.for %while3A_249 = %while3A_237 to %while3A_244 step %while3A_245 iter_args(%while3A_250 = %while3A_238) -> (i32)  : i32 {
        %mul3A_251 = arith.constant 256 : i32
        %mul3A_252 = arith.muli %while3A_249, %mul3A_251 : i32
        %get3A_253 = arith.index_cast %select_n3A_115 : i32 to index
        %get3A_254 = arith.index_cast %mul3A_252 : i32 to index
        %get3A_255 = arith.constant 0 : index
        %get3A_256 = vector.load %arg12[%get3A_253, %get3A_254, %get3A_255] : memref<2x10240x128xf32, #tpu.memory_space<vmem>>, vector<1x256x128xf32>
        %get3A_257 = vector.shape_cast %get3A_256 : vector<1x256x128xf32> to vector<256x128xf32>
        %convert_element_type3A = arith.truncf %get3A_257 : vector<256x128xf32> to vector<256x128xbf16>
        %get3A_258 = arith.index_cast %mul3A_252 : i32 to index
        %get3A_259 = arith.constant 0 : index
        %get3A_260 = vector.load %arg11[%get3A_258, %get3A_259] : memref<12288x128xf32, #tpu.memory_space<vmem>>, vector<256x128xf32>
        %get3A_261 = arith.constant 0 : index
        %get3A_262 = arith.constant 0 : index
        %get3A_263 = vector.load %arg3[%get3A_261, %get3A_262] : memref<128x384xbf16, #tpu.memory_space<vmem>>, vector<128x384xbf16>
        %dot_general3A = arith.constant dense<0.000000e+00> : vector<256x384xf32>
        %dot_general3A_264 = tpu.matmul %convert_element_type3A, %get3A_263, %dot_general3A {dimension_numbers = #tpu.dot_dimension_numbers<[1], [0], [0], [1], [0, 0, 1, 1], [], []>, transpose_lhs_hint = false} : vector<256x128xbf16>, vector<128x384xbf16>, vector<256x384xf32> -> vector<256x384xf32>
        %get3A_265 = arith.constant 0 : index
        %get3A_266 = arith.constant 0 : index
        %get3A_267 = vector.load %arg5[%get3A_265, %get3A_266] : memref<1x384xf32, #tpu.memory_space<vmem>>, vector<1x384xf32>
        %add3A_268 = vector.broadcast %get3A_267 : vector<1x384xf32> to vector<256x384xf32>
        %add3A_269 = arith.addf %dot_general3A_264, %add3A_268 : vector<256x384xf32>
        %convert_element_type3A_270 = arith.truncf %get3A_260 : vector<256x128xf32> to vector<256x128xbf16>
        %get3A_271 = arith.constant 0 : index
        %get3A_272 = arith.constant 0 : index
        %get3A_273 = vector.load %arg4[%get3A_271, %get3A_272] : memref<128x384xbf16, #tpu.memory_space<vmem>>, vector<128x384xbf16>
        %dot_general3A_274 = arith.constant dense<0.000000e+00> : vector<256x384xf32>
        %dot_general3A_275 = tpu.matmul %convert_element_type3A_270, %get3A_273, %dot_general3A_274 {dimension_numbers = #tpu.dot_dimension_numbers<[1], [0], [0], [1], [0, 0, 1, 1], [], []>, transpose_lhs_hint = false} : vector<256x128xbf16>, vector<128x384xbf16>, vector<256x384xf32> -> vector<256x384xf32>
        %get3A_276 = arith.constant 0 : index
        %get3A_277 = arith.constant 0 : index
        %get3A_278 = vector.load %arg6[%get3A_276, %get3A_277] : memref<1x384xf32, #tpu.memory_space<vmem>>, vector<1x384xf32>
        %add3A_279 = vector.broadcast %get3A_278 : vector<1x384xf32> to vector<256x384xf32>
        %add3A_280 = arith.addf %dot_general3A_275, %add3A_279 : vector<256x384xf32>
        %slice3A = vector.extract_strided_slice %add3A_269 {offsets = [0, 0], sizes = [256, 128], strides = [1, 1]} : vector<256x384xf32> to vector<256x128xf32>
        %slice3A_281 = vector.extract_strided_slice %add3A_280 {offsets = [0, 0], sizes = [256, 128], strides = [1, 1]} : vector<256x384xf32> to vector<256x128xf32>
        %add3A_282 = arith.addf %slice3A, %slice3A_281 : vector<256x128xf32>
        %logistic3A = arith.negf %add3A_282 : vector<256x128xf32>
        %logistic3A_283 = math.exp %logistic3A : vector<256x128xf32>
        %logistic3A_284 = arith.constant 1.000000e+00 : f32
        %logistic3A_285 = vector.broadcast %logistic3A_284 : f32 to vector<256x128xf32>
        %logistic3A_286 = arith.addf %logistic3A_285, %logistic3A_283 : vector<256x128xf32>
        %logistic3A_287 = arith.divf %logistic3A_285, %logistic3A_286 : vector<256x128xf32>
        %slice3A_288 = vector.extract_strided_slice %add3A_269 {offsets = [0, 128], sizes = [256, 128], strides = [1, 1]} : vector<256x384xf32> to vector<256x128xf32>
        %slice3A_289 = vector.extract_strided_slice %add3A_280 {offsets = [0, 128], sizes = [256, 128], strides = [1, 1]} : vector<256x384xf32> to vector<256x128xf32>
        %add3A_290 = arith.addf %slice3A_288, %slice3A_289 : vector<256x128xf32>
        %logistic3A_291 = arith.negf %add3A_290 : vector<256x128xf32>
        %logistic3A_292 = math.exp %logistic3A_291 : vector<256x128xf32>
        %logistic3A_293 = arith.constant 1.000000e+00 : f32
        %logistic3A_294 = vector.broadcast %logistic3A_293 : f32 to vector<256x128xf32>
        %logistic3A_295 = arith.addf %logistic3A_294, %logistic3A_292 : vector<256x128xf32>
        %logistic3A_296 = arith.divf %logistic3A_294, %logistic3A_295 : vector<256x128xf32>
        %slice3A_297 = vector.extract_strided_slice %add3A_269 {offsets = [0, 256], sizes = [256, 128], strides = [1, 1]} : vector<256x384xf32> to vector<256x128xf32>
        %slice3A_298 = vector.extract_strided_slice %add3A_280 {offsets = [0, 256], sizes = [256, 128], strides = [1, 1]} : vector<256x384xf32> to vector<256x128xf32>
        %mul3A_299 = arith.mulf %logistic3A_287, %slice3A_298 : vector<256x128xf32>
        %add3A_300 = arith.addf %slice3A_297, %mul3A_299 : vector<256x128xf32>
        %tanh3A = math.tanh %add3A_300 : vector<256x128xf32>
        %sub3A_301 = arith.constant 1.000000e+00 : f32
        %sub3A_302 = vector.broadcast %sub3A_301 : f32 to vector<256x128xf32>
        %sub3A_303 = arith.subf %sub3A_302, %logistic3A_296 : vector<256x128xf32>
        %mul3A_304 = arith.mulf %sub3A_303, %tanh3A : vector<256x128xf32>
        %mul3A_305 = arith.mulf %logistic3A_296, %get3A_260 : vector<256x128xf32>
        %add3A_306 = arith.addf %mul3A_304, %mul3A_305 : vector<256x128xf32>
        %iota3A = tpu.iota {dimensions = array<i32: 0>} : vector<256x1xi32>
        %add3A_307 = vector.broadcast %mul3A_252 : i32 to vector<256x1xi32>
        %add3A_308 = arith.addi %add3A_307, %iota3A : vector<256x1xi32>
        %lt3A_309 = vector.broadcast %while3A_99 : i32 to vector<256x1xi32>
        %lt3A_310 = arith.cmpi slt, %add3A_308, %lt3A_309 : vector<256x1xi32>
        %broadcast_in_dim3A_311 = vector.shape_cast %lt3A_310 : vector<256x1xi1> to vector<256x1xi1>
        %broadcast_in_dim3A_312 = vector.broadcast %broadcast_in_dim3A_311 : vector<256x1xi1> to vector<256x128xi1>
        %select_n3A_313 = arith.select %broadcast_in_dim3A_312, %add3A_306, %get3A_260 : vector<256x128xi1>, vector<256x128xf32>
        %swap3A_314 = arith.index_cast %mul3A_252 : i32 to index
        %swap3A_315 = arith.constant 0 : index
        %swap3A_316 = vector.load %arg11[%swap3A_314, %swap3A_315] : memref<12288x128xf32, #tpu.memory_space<vmem>>, vector<256x128xf32>
        tpu.vector_store %arg11[%swap3A_314, %swap3A_315], %select_n3A_313 {strides = array<i32>} : memref<12288x128xf32, #tpu.memory_space<vmem>>, vector<256x128xf32>,
        %while3A_317 = arith.constant 0 : i32
        scf.yield %while3A_317 : i32
      }
      %while3A_247 = arith.constant 1 : i32
      %while3A_248 = scf.for %while3A_249 = %while3A_244 to %while3A_240 step %while3A_247 iter_args(%while3A_250 = %while3A_246) -> (i32)  : i32 {
        %mul3A_251 = arith.constant 256 : i32
        %mul3A_252 = arith.muli %while3A_249, %mul3A_251 : i32
        %get3A_253 = arith.index_cast %select_n3A_115 : i32 to index
        %get3A_254 = arith.index_cast %mul3A_252 : i32 to index
        %get3A_255 = arith.constant 0 : index
        %get3A_256 = vector.load %arg12[%get3A_253, %get3A_254, %get3A_255] : memref<2x10240x128xf32, #tpu.memory_space<vmem>>, vector<1x256x128xf32>
        %get3A_257 = vector.shape_cast %get3A_256 : vector<1x256x128xf32> to vector<256x128xf32>
        %convert_element_type3A = arith.truncf %get3A_257 : vector<256x128xf32> to vector<256x128xbf16>
        %get3A_258 = arith.index_cast %mul3A_252 : i32 to index
        %get3A_259 = arith.constant 0 : index
        %get3A_260 = vector.load %arg11[%get3A_258, %get3A_259] : memref<12288x128xf32, #tpu.memory_space<vmem>>, vector<256x128xf32>
        %get3A_261 = arith.constant 0 : index
        %get3A_262 = arith.constant 0 : index
        %get3A_263 = vector.load %arg3[%get3A_261, %get3A_262] : memref<128x384xbf16, #tpu.memory_space<vmem>>, vector<128x384xbf16>
        %dot_general3A = arith.constant dense<0.000000e+00> : vector<256x384xf32>
        %dot_general3A_264 = tpu.matmul %convert_element_type3A, %get3A_263, %dot_general3A {dimension_numbers = #tpu.dot_dimension_numbers<[1], [0], [0], [1], [0, 0, 1, 1], [], []>, transpose_lhs_hint = false} : vector<256x128xbf16>, vector<128x384xbf16>, vector<256x384xf32> -> vector<256x384xf32>
        %get3A_265 = arith.constant 0 : index
        %get3A_266 = arith.constant 0 : index
        %get3A_267 = vector.load %arg5[%get3A_265, %get3A_266] : memref<1x384xf32, #tpu.memory_space<vmem>>, vector<1x384xf32>
        %add3A_268 = vector.broadcast %get3A_267 : vector<1x384xf32> to vector<256x384xf32>
        %add3A_269 = arith.addf %dot_general3A_264, %add3A_268 : vector<256x384xf32>
        %convert_element_type3A_270 = arith.truncf %get3A_260 : vector<256x128xf32> to vector<256x128xbf16>
        %get3A_271 = arith.constant 0 : index
        %get3A_272 = arith.constant 0 : index
        %get3A_273 = vector.load %arg4[%get3A_271, %get3A_272] : memref<128x384xbf16, #tpu.memory_space<vmem>>, vector<128x384xbf16>
        %dot_general3A_274 = arith.constant dense<0.000000e+00> : vector<256x384xf32>
        %dot_general3A_275 = tpu.matmul %convert_element_type3A_270, %get3A_273, %dot_general3A_274 {dimension_numbers = #tpu.dot_dimension_numbers<[1], [0], [0], [1], [0, 0, 1, 1], [], []>, transpose_lhs_hint = false} : vector<256x128xbf16>, vector<128x384xbf16>, vector<256x384xf32> -> vector<256x384xf32>
        %get3A_276 = arith.constant 0 : index
        %get3A_277 = arith.constant 0 : index
        %get3A_278 = vector.load %arg6[%get3A_276, %get3A_277] : memref<1x384xf32, #tpu.memory_space<vmem>>, vector<1x384xf32>
        %add3A_279 = vector.broadcast %get3A_278 : vector<1x384xf32> to vector<256x384xf32>
        %add3A_280 = arith.addf %dot_general3A_275, %add3A_279 : vector<256x384xf32>
        %slice3A = vector.extract_strided_slice %add3A_269 {offsets = [0, 0], sizes = [256, 128], strides = [1, 1]} : vector<256x384xf32> to vector<256x128xf32>
        %slice3A_281 = vector.extract_strided_slice %add3A_280 {offsets = [0, 0], sizes = [256, 128], strides = [1, 1]} : vector<256x384xf32> to vector<256x128xf32>
        %add3A_282 = arith.addf %slice3A, %slice3A_281 : vector<256x128xf32>
        %logistic3A = arith.negf %add3A_282 : vector<256x128xf32>
        %logistic3A_283 = math.exp %logistic3A : vector<256x128xf32>
        %logistic3A_284 = arith.constant 1.000000e+00 : f32
        %logistic3A_285 = vector.broadcast %logistic3A_284 : f32 to vector<256x128xf32>
        %logistic3A_286 = arith.addf %logistic3A_285, %logistic3A_283 : vector<256x128xf32>
        %logistic3A_287 = arith.divf %logistic3A_285, %logistic3A_286 : vector<256x128xf32>
        %slice3A_288 = vector.extract_strided_slice %add3A_269 {offsets = [0, 128], sizes = [256, 128], strides = [1, 1]} : vector<256x384xf32> to vector<256x128xf32>
        %slice3A_289 = vector.extract_strided_slice %add3A_280 {offsets = [0, 128], sizes = [256, 128], strides = [1, 1]} : vector<256x384xf32> to vector<256x128xf32>
        %add3A_290 = arith.addf %slice3A_288, %slice3A_289 : vector<256x128xf32>
        %logistic3A_291 = arith.negf %add3A_290 : vector<256x128xf32>
        %logistic3A_292 = math.exp %logistic3A_291 : vector<256x128xf32>
        %logistic3A_293 = arith.constant 1.000000e+00 : f32
        %logistic3A_294 = vector.broadcast %logistic3A_293 : f32 to vector<256x128xf32>
        %logistic3A_295 = arith.addf %logistic3A_294, %logistic3A_292 : vector<256x128xf32>
        %logistic3A_296 = arith.divf %logistic3A_294, %logistic3A_295 : vector<256x128xf32>
        %slice3A_297 = vector.extract_strided_slice %add3A_269 {offsets = [0, 256], sizes = [256, 128], strides = [1, 1]} : vector<256x384xf32> to vector<256x128xf32>
        %slice3A_298 = vector.extract_strided_slice %add3A_280 {offsets = [0, 256], sizes = [256, 128], strides = [1, 1]} : vector<256x384xf32> to vector<256x128xf32>
        %mul3A_299 = arith.mulf %logistic3A_287, %slice3A_298 : vector<256x128xf32>
        %add3A_300 = arith.addf %slice3A_297, %mul3A_299 : vector<256x128xf32>
        %tanh3A = math.tanh %add3A_300 : vector<256x128xf32>
        %sub3A_301 = arith.constant 1.000000e+00 : f32
        %sub3A_302 = vector.broadcast %sub3A_301 : f32 to vector<256x128xf32>
        %sub3A_303 = arith.subf %sub3A_302, %logistic3A_296 : vector<256x128xf32>
        %mul3A_304 = arith.mulf %sub3A_303, %tanh3A : vector<256x128xf32>
        %mul3A_305 = arith.mulf %logistic3A_296, %get3A_260 : vector<256x128xf32>
        %add3A_306 = arith.addf %mul3A_304, %mul3A_305 : vector<256x128xf32>
        %iota3A = tpu.iota {dimensions = array<i32: 0>} : vector<256x1xi32>
        %add3A_307 = vector.broadcast %mul3A_252 : i32 to vector<256x1xi32>
        %add3A_308 = arith.addi %add3A_307, %iota3A : vector<256x1xi32>
        %lt3A_309 = vector.broadcast %while3A_99 : i32 to vector<256x1xi32>
        %lt3A_310 = arith.cmpi slt, %add3A_308, %lt3A_309 : vector<256x1xi32>
        %broadcast_in_dim3A_311 = vector.shape_cast %lt3A_310 : vector<256x1xi1> to vector<256x1xi1>
        %broadcast_in_dim3A_312 = vector.broadcast %broadcast_in_dim3A_311 : vector<256x1xi1> to vector<256x128xi1>
        %select_n3A_313 = arith.select %broadcast_in_dim3A_312, %add3A_306, %get3A_260 : vector<256x128xi1>, vector<256x128xf32>
        %swap3A_314 = arith.index_cast %mul3A_252 : i32 to index
        %swap3A_315 = arith.constant 0 : index
        %swap3A_316 = vector.load %arg11[%swap3A_314, %swap3A_315] : memref<12288x128xf32, #tpu.memory_space<vmem>>, vector<256x128xf32>
        tpu.vector_store %arg11[%swap3A_314, %swap3A_315], %select_n3A_313 {strides = array<i32>} : memref<12288x128xf32, #tpu.memory_space<vmem>>, vector<256x128xf32>,
        %while3A_317 = arith.constant 0 : i32
        scf.yield %while3A_317 : i32
      }
      scf.yield %add3A_116, %scan3A_125#0 : i32, i32
    }
    %mul3A = arith.constant 0 : i32
    %mul3A_50 = arith.constant 256 : i32
    %mul3A_51 = arith.muli %mul3A, %mul3A_50 : i32
    %add3A_52 = arith.constant 163840 : i32
    %add3A_53 = arith.addi %add3A_52, %mul3A_51 : i32
    %jit3A_54 = arith.constant 0 : i32
    %jit3A_55 = arith.constant 2 : i32
    %eq3A = arith.constant 0 : i32
    %eq3A_56 = arith.cmpi eq, %jit3A_55, %eq3A : i32
    %jit3A_57 = arith.constant 1 : i32
    %select_n3A_58 = arith.select %eq3A_56, %jit3A_57, %jit3A_55 : i32
    %rem3A_59 = arith.remsi %jit3A_54, %select_n3A_58 : i32
    %ne3A_60 = arith.constant 0 : i32
    %ne3A_61 = arith.cmpi ne, %rem3A_59, %ne3A_60 : i32
    %lt3A = arith.constant 0 : i32
    %lt3A_62 = arith.cmpi slt, %rem3A_59, %lt3A : i32
    %lt3A_63 = arith.constant 0 : i32
    %lt3A_64 = arith.cmpi slt, %select_n3A_58, %lt3A_63 : i32
    %ne3A_65 = arith.xori %lt3A_62, %lt3A_64 : i1
    %and3A_66 = arith.andi %ne3A_65, %ne3A_61 : i1
    %add3A_67 = arith.addi %rem3A_59, %select_n3A_58 : i32
    %select_n3A_68 = arith.select %and3A_66, %add3A_67, %rem3A_59 : i32
    %jit3A_69 = arith.constant 0 : i32
    %jit3A_70 = arith.constant 2 : i32
    %eq3A_71 = arith.constant 0 : i32
    %eq3A_72 = arith.cmpi eq, %jit3A_70, %eq3A_71 : i32
    %jit3A_73 = arith.constant 1 : i32
    %select_n3A_74 = arith.select %eq3A_72, %jit3A_73, %jit3A_70 : i32
    %rem3A_75 = arith.remsi %jit3A_69, %select_n3A_74 : i32
    %ne3A_76 = arith.constant 0 : i32
    %ne3A_77 = arith.cmpi ne, %rem3A_75, %ne3A_76 : i32
    %lt3A_78 = arith.constant 0 : i32
    %lt3A_79 = arith.cmpi slt, %rem3A_75, %lt3A_78 : i32
    %lt3A_80 = arith.constant 0 : i32
    %lt3A_81 = arith.cmpi slt, %select_n3A_74, %lt3A_80 : i32
    %ne3A_82 = arith.xori %lt3A_79, %lt3A_81 : i1
    %and3A_83 = arith.andi %ne3A_82, %ne3A_77 : i1
    %add3A_84 = arith.addi %rem3A_75, %select_n3A_74 : i32
    %select_n3A_85 = arith.select %and3A_83, %add3A_84, %rem3A_75 : i32
    %dma_start3A = tpu.memref_slice %arg13[%select_n3A_85] : memref<2x!tpu.dma_semaphore, #tpu.memory_space<semaphore_mem>> -> memref<1x!tpu.dma_semaphore, #tpu.memory_space<semaphore_mem>>
    %dma_start3A_86 = tpu.memref_squeeze %dma_start3A : memref<1x!tpu.dma_semaphore, #tpu.memory_space<semaphore_mem>> -> memref<!tpu.dma_semaphore, #tpu.memory_space<semaphore_mem>>
    %dma_start3A_87 = arith.constant 0 : i32
    %dma_start3A_88 = arith.constant 0 : i32
    %dma_start3A_89 = tpu.memref_slice %arg12[%select_n3A_68, %dma_start3A_87, %dma_start3A_88] : memref<2x10240x128xf32, #tpu.memory_space<vmem>> -> memref<1x256x128xf32, #tpu.memory_space<vmem>>
    %dma_start3A_90 = tpu.memref_squeeze %dma_start3A_89 : memref<1x256x128xf32, #tpu.memory_space<vmem>> -> memref<256x128xf32, #tpu.memory_space<vmem>>
    %dma_start3A_91 = arith.constant 0 : i32
    %dma_start3A_92 = tpu.memref_slice %arg2[%add3A_53, %dma_start3A_91] : memref<176128x128xf32, #tpu.memory_space<hbm>> -> memref<256x128xf32, #tpu.memory_space<hbm>>
    tpu.enqueue_dma source(%dma_start3A_92 : memref<256x128xf32, #tpu.memory_space<hbm>>) target(%dma_start3A_90 : memref<256x128xf32, #tpu.memory_space<vmem>>) target_semaphore(%dma_start3A_86 : memref<!tpu.dma_semaphore, #tpu.memory_space<semaphore_mem>>)
    %scan3A = arith.constant 0 : i32
    %scan3A_93 = arith.constant 48 : i32
    %scan3A_94 = arith.addi %scan3A, %scan3A_93 : i32
    %scan3A_95 = arith.constant 1 : i32
    scf.for %scan3A_97 = %scan3A to %scan3A_94 step %scan3A_95  : i32 {
      %jit3A_98 = arith.constant 2 : i32
      %eq3A_99 = arith.constant 0 : i32
      %eq3A_100 = arith.cmpi eq, %jit3A_98, %eq3A_99 : i32
      %jit3A_101 = arith.constant 1 : i32
      %select_n3A_102 = arith.select %eq3A_100, %jit3A_101, %jit3A_98 : i32
      %rem3A_103 = arith.remsi %scan3A_97, %select_n3A_102 : i32
      %ne3A_104 = arith.constant 0 : i32
      %ne3A_105 = arith.cmpi ne, %rem3A_103, %ne3A_104 : i32
      %lt3A_106 = arith.constant 0 : i32
      %lt3A_107 = arith.cmpi slt, %rem3A_103, %lt3A_106 : i32
      %lt3A_108 = arith.constant 0 : i32
      %lt3A_109 = arith.cmpi slt, %select_n3A_102, %lt3A_108 : i32
      %ne3A_110 = arith.xori %lt3A_107, %lt3A_109 : i1
      %and3A_111 = arith.andi %ne3A_110, %ne3A_105 : i1
      %add3A_112 = arith.addi %rem3A_103, %select_n3A_102 : i32
      %select_n3A_113 = arith.select %and3A_111, %add3A_112, %rem3A_103 : i32
      %add3A_114 = arith.constant 1 : i32
      %add3A_115 = arith.addi %scan3A_97, %add3A_114 : i32
      %lt3A_116 = arith.constant 48 : i32
      %lt3A_117 = arith.cmpi slt, %add3A_115, %lt3A_116 : i32
      %convert_element_type3A = arith.extui %lt3A_117 : i1 to i32
      %cond3A = arith.constant 0 : i32
      %cond3A_118 = arith.cmpi ne, %convert_element_type3A, %cond3A : i32
      scf.if %cond3A_118 {
        %add3A_160 = arith.constant 1 : i32
        %add3A_161 = arith.addi %scan3A_97, %add3A_160 : i32
        %mul3A_162 = arith.constant 256 : i32
        %mul3A_163 = arith.muli %add3A_161, %mul3A_162 : i32
        %add3A_164 = arith.constant 163840 : i32
        %add3A_165 = arith.addi %add3A_164, %mul3A_163 : i32
        %jit3A_166 = arith.constant 2 : i32
        %eq3A_167 = arith.constant 0 : i32
        %eq3A_168 = arith.cmpi eq, %jit3A_166, %eq3A_167 : i32
        %jit3A_169 = arith.constant 1 : i32
        %select_n3A_170 = arith.select %eq3A_168, %jit3A_169, %jit3A_166 : i32
        %rem3A_171 = arith.remsi %add3A_161, %select_n3A_170 : i32
        %ne3A_172 = arith.constant 0 : i32
        %ne3A_173 = arith.cmpi ne, %rem3A_171, %ne3A_172 : i32
        %lt3A_174 = arith.constant 0 : i32
        %lt3A_175 = arith.cmpi slt, %rem3A_171, %lt3A_174 : i32
        %lt3A_176 = arith.constant 0 : i32
        %lt3A_177 = arith.cmpi slt, %select_n3A_170, %lt3A_176 : i32
        %ne3A_178 = arith.xori %lt3A_175, %lt3A_177 : i1
        %and3A_179 = arith.andi %ne3A_178, %ne3A_173 : i1
        %add3A_180 = arith.addi %rem3A_171, %select_n3A_170 : i32
        %select_n3A_181 = arith.select %and3A_179, %add3A_180, %rem3A_171 : i32
        %jit3A_182 = arith.constant 2 : i32
        %eq3A_183 = arith.constant 0 : i32
        %eq3A_184 = arith.cmpi eq, %jit3A_182, %eq3A_183 : i32
        %jit3A_185 = arith.constant 1 : i32
        %select_n3A_186 = arith.select %eq3A_184, %jit3A_185, %jit3A_182 : i32
        %rem3A_187 = arith.remsi %add3A_161, %select_n3A_186 : i32
        %ne3A_188 = arith.constant 0 : i32
        %ne3A_189 = arith.cmpi ne, %rem3A_187, %ne3A_188 : i32
        %lt3A_190 = arith.constant 0 : i32
        %lt3A_191 = arith.cmpi slt, %rem3A_187, %lt3A_190 : i32
        %lt3A_192 = arith.constant 0 : i32
        %lt3A_193 = arith.cmpi slt, %select_n3A_186, %lt3A_192 : i32
        %ne3A_194 = arith.xori %lt3A_191, %lt3A_193 : i1
        %and3A_195 = arith.andi %ne3A_194, %ne3A_189 : i1
        %add3A_196 = arith.addi %rem3A_187, %select_n3A_186 : i32
        %select_n3A_197 = arith.select %and3A_195, %add3A_196, %rem3A_187 : i32
        %dma_start3A_198 = tpu.memref_slice %arg13[%select_n3A_197] : memref<2x!tpu.dma_semaphore, #tpu.memory_space<semaphore_mem>> -> memref<1x!tpu.dma_semaphore, #tpu.memory_space<semaphore_mem>>
        %dma_start3A_199 = tpu.memref_squeeze %dma_start3A_198 : memref<1x!tpu.dma_semaphore, #tpu.memory_space<semaphore_mem>> -> memref<!tpu.dma_semaphore, #tpu.memory_space<semaphore_mem>>
        %dma_start3A_200 = arith.constant 0 : i32
        %dma_start3A_201 = arith.constant 0 : i32
        %dma_start3A_202 = tpu.memref_slice %arg12[%select_n3A_181, %dma_start3A_200, %dma_start3A_201] : memref<2x10240x128xf32, #tpu.memory_space<vmem>> -> memref<1x256x128xf32, #tpu.memory_space<vmem>>
        %dma_start3A_203 = tpu.memref_squeeze %dma_start3A_202 : memref<1x256x128xf32, #tpu.memory_space<vmem>> -> memref<256x128xf32, #tpu.memory_space<vmem>>
        %dma_start3A_204 = arith.constant 0 : i32
        %dma_start3A_205 = tpu.memref_slice %arg2[%add3A_165, %dma_start3A_204] : memref<176128x128xf32, #tpu.memory_space<hbm>> -> memref<256x128xf32, #tpu.memory_space<hbm>>
        tpu.enqueue_dma source(%dma_start3A_205 : memref<256x128xf32, #tpu.memory_space<hbm>>) target(%dma_start3A_203 : memref<256x128xf32, #tpu.memory_space<vmem>>) target_semaphore(%dma_start3A_199 : memref<!tpu.dma_semaphore, #tpu.memory_space<semaphore_mem>>)
      } else {
      }
      %dma_wait3A = tpu.memref_slice %arg13[%select_n3A_113] : memref<2x!tpu.dma_semaphore, #tpu.memory_space<semaphore_mem>> -> memref<1x!tpu.dma_semaphore, #tpu.memory_space<semaphore_mem>>
      %dma_wait3A_119 = tpu.memref_squeeze %dma_wait3A : memref<1x!tpu.dma_semaphore, #tpu.memory_space<semaphore_mem>> -> memref<!tpu.dma_semaphore, #tpu.memory_space<semaphore_mem>>
      %dma_wait3A_120 = arith.constant 0 : i32
      %dma_wait3A_121 = arith.constant 0 : i32
      %dma_wait3A_122 = tpu.memref_slice %arg12[%select_n3A_113, %dma_wait3A_120, %dma_wait3A_121] : memref<2x10240x128xf32, #tpu.memory_space<vmem>> -> memref<1x256x128xf32, #tpu.memory_space<vmem>>
      %dma_wait3A_123 = tpu.memref_squeeze %dma_wait3A_122 : memref<1x256x128xf32, #tpu.memory_space<vmem>> -> memref<256x128xf32, #tpu.memory_space<vmem>>
      %dma_wait3A_124 = arith.constant 163840 : i32
      %dma_wait3A_125 = arith.constant 0 : i32
      %dma_wait3A_126 = tpu.memref_slice %arg2[%dma_wait3A_124, %dma_wait3A_125] : memref<176128x128xf32, #tpu.memory_space<hbm>> -> memref<256x128xf32, #tpu.memory_space<hbm>>
      tpu.wait_dma2 semaphore(%dma_wait3A_119 : memref<!tpu.dma_semaphore, #tpu.memory_space<semaphore_mem>>) src(%dma_wait3A_126 : memref<256x128xf32, #tpu.memory_space<hbm>>) dst(%dma_wait3A_123 : memref<256x128xf32, #tpu.memory_space<vmem>>)
      %mul3A_127 = arith.constant 256 : i32
      %mul3A_128 = arith.muli %scan3A_97, %mul3A_127 : i32
      %get3A_129 = arith.index_cast %select_n3A_113 : i32 to index
      %get3A_130 = arith.constant 0 : index
      %get3A_131 = arith.constant 0 : index
      %get3A_132 = vector.load %arg12[%get3A_129, %get3A_130, %get3A_131] : memref<2x10240x128xf32, #tpu.memory_space<vmem>>, vector<1x256x128xf32>
      %get3A_133 = vector.shape_cast %get3A_132 : vector<1x256x128xf32> to vector<256x128xf32>
      %convert_element_type3A_134 = arith.truncf %get3A_133 : vector<256x128xf32> to vector<256x128xbf16>
      %get3A_135 = arith.index_cast %mul3A_128 : i32 to index
      %get3A_136 = arith.constant 0 : index
      %get3A_137 = vector.load %arg11[%get3A_135, %get3A_136] : memref<12288x128xf32, #tpu.memory_space<vmem>>, vector<256x128xf32>
      %get3A_138 = arith.constant 0 : index
      %get3A_139 = arith.constant 0 : index
      %get3A_140 = vector.load %arg7[%get3A_138, %get3A_139] : memref<128x128xbf16, #tpu.memory_space<vmem>>, vector<128x128xbf16>
      %dot_general3A = arith.constant dense<0.000000e+00> : vector<256x128xf32>
      %dot_general3A_141 = tpu.matmul %convert_element_type3A_134, %get3A_140, %dot_general3A {dimension_numbers = #tpu.dot_dimension_numbers<[1], [0], [0], [1], [0, 0, 1, 1], [], []>, transpose_lhs_hint = false} : vector<256x128xbf16>, vector<128x128xbf16>, vector<256x128xf32> -> vector<256x128xf32>
      %convert_element_type3A_142 = arith.truncf %get3A_137 : vector<256x128xf32> to vector<256x128xbf16>
      %get3A_143 = arith.constant 0 : index
      %get3A_144 = arith.constant 0 : index
      %get3A_145 = vector.load %arg8[%get3A_143, %get3A_144] : memref<128x128xbf16, #tpu.memory_space<vmem>>, vector<128x128xbf16>
      %dot_general3A_146 = arith.constant dense<0.000000e+00> : vector<256x128xf32>
      %dot_general3A_147 = tpu.matmul %convert_element_type3A_142, %get3A_145, %dot_general3A_146 {dimension_numbers = #tpu.dot_dimension_numbers<[1], [0], [0], [1], [0, 0, 1, 1], [], []>, transpose_lhs_hint = false} : vector<256x128xbf16>, vector<128x128xbf16>, vector<256x128xf32> -> vector<256x128xf32>
      %add3A_148 = arith.addf %dot_general3A_141, %dot_general3A_147 : vector<256x128xf32>
      %ge3A = arith.constant 0.000000e+00 : f32
      %ge3A_149 = vector.broadcast %ge3A : f32 to vector<256x128xf32>
      %ge3A_150 = arith.cmpf oge, %add3A_148, %ge3A_149 : vector<256x128xf32>
      %get3A_151 = arith.constant 0 : index
      %get3A_152 = arith.constant 0 : index
      %get3A_153 = vector.load %arg9[%get3A_151, %get3A_152] : memref<1x128xf32, #tpu.memory_space<vmem>>, vector<1x128xf32>
      %mul3A_154 = vector.broadcast %get3A_153 : vector<1x128xf32> to vector<256x128xf32>
      %mul3A_155 = arith.mulf %mul3A_154, %add3A_148 : vector<256x128xf32>
      %select_n3A_156 = arith.select %ge3A_150, %add3A_148, %mul3A_155 : vector<256x128xi1>, vector<256x128xf32>
      %swap3A_157 = arith.index_cast %mul3A_128 : i32 to index
      %swap3A_158 = arith.constant 0 : index
      %swap3A_159 = vector.load %arg10[%swap3A_157, %swap3A_158] : memref<12288x128xf32, #tpu.memory_space<vmem>>, vector<256x128xf32>
      tpu.vector_store %arg10[%swap3A_157, %swap3A_158], %select_n3A_156 {strides = array<i32>} : memref<12288x128xf32, #tpu.memory_space<vmem>>, vector<256x128xf32>,
    }
    %scan3A_96 = arith.constant 48 : i32
    return
  }
}

</mosaic_0001>

<sc_bundles>
// kernel: kernel.5.cloned.1.call-start
scs
__scs_entry_jumppad:
0x0: {  	(pc) =	sbr.rel $0x88, $3  }
0x1: {  	(tag) =	ssettag $0x0;
	lr =	simm.s32 $0x1  }
0x2: {  	[smem:$0x3F98] =	sst lr;
	_ =	strace $0xD0000000  }
0x3: {  	_ = 	snop  }
0x4: {  	_ = 	snop  }
0x5: {  	_ = 	snop  }
0x6: {  	_ = 	snop  }
0x7: {  	_ = 	snop  }
__scs_overlays_trampoline_lowered:
0x8: {  	[smem:$0x3FA7] =	sst s0  }
0x9: {  	[smem:$0x3FA8] =	sst s1  }
0xa: {  	[smem:$0x3FA9] =	sst s2  }
0xb: {  	[smem:$0x3FAA] =	sst s3  }
0xc: {  	[smem:$0x3FAB] =	sst s4  }
0xd: {  	[smem:$0x3FAC] =	sst s5  }
0xe: {  	[smem:$0x3FAD] =	sst s6  }
0xf: {  	[smem:$0x3FAE] =	sst s7  }
0x10: {  	[smem:$0x3FAF] =	sst s8  }
0x11: {  	[smem:$0x3FB0] =	sst s9;
	s0 =	simm.s32 @!p0 $0x0  }
0x12: {  	s1 =	sld [smem:$0x3F96];
	s0 =	simm.s32 @p0 $0x1  }
0x13: {  	[smem:$0x3FB1] =	sst s0;
	s0 =	simm.s32 @!p1 $0x0  }
0x14: {  	s2 =	sld [smem:$0x3F95];
	s0 =	simm.s32 @p1 $0x1  }
0x15: {  	[smem:$0x3FB2] =	sst s0;
	s0 =	simm.s32 @!p2 $0x0  }
0x16: {  	s3 =	sld [smem:$0x3FDB];
	s0 =	simm.s32 @p2 $0x1  }
0x17: {  	s4 =	simm.s32 $0x1BF5;
	[smem:$0x3FB4] =	sst s0  }
0x18: {  	s0 =	sld [smem:$0x3F97];
	_ =	swait.ge [sflag:s4], $0x0  }
0x19: {  	s7 =	sld [smem:$0x3F98]  }
0x1a: {  	s8 =	sadd.s32 $0xFFFFE003, lr  }
0x1b: {  	s9 =	sadd.s32 $0xFFFFFEF7, lr;
	s5 =	simm.s32 $0xFFFFFFFF;
	p2 =	slt.u32 s8, $0xFFFFF086  }
0x1c: {  	p1 =	slt.u32 s9, $0xF7A;
	s5 =	simm.s32 @!p2 $0x0  }
0x1d: {  	s5 =	simm.s32 @p1 $0x1;
	p0 =	seq.s32 s7, s2  }
0x1e: {  	s7 =	smul.u32 @!p0 $0xF7A, s2;
	p2 =	seq.s32 @!p0 s5, $0x0  }
0x1f: {  	s9 =	smul.u32 $0xF7A, s1;
	s8 =	simm.s32 @!p0 $0x1BF5;
	p2 =	por !p2, p0  }
0x20: {  	[sflag:s8] =	ssyncset.s32 @!p0 $0xFFFFF086;
	s6 =	sadd.s32 @!p0 s3, s7;
	s7 =	simm.s32 @!p0 $0x108  }
0x21: {  	s3 =	sadd.s32 s3, s9;
	s6 =	sadd.s32 @!p0 $0x88, s6;
	s7 =	simm.s32 @p2 $0x1082  }
0x22: {  	[simem:s7], [sflag:s8] =	dma.local @!p0 [hbm:s6], $0xF7A  }
0x23: {  	s9 =	sor.u32 $0xD0000000, s2;
	s6 =	simm.s32 $0x108;
	_ =	swait.ge @!p0 [sflag:s8], $0x0  }
0x24: {  	s3 =	sadd.s32 $0x88, s3;
	s6 =	simm.s32 @!p1 $0x1082;
	[sflag:s4] =	ssyncset.s32 $0xFFFFF086  }
0x25: {  	[simem:s6], [sflag:s4] =	dma.local [hbm:s3], $0xF7A  }
0x26: {  	[smem:$0x3F98] =	sst s1;
	(tag) =	ssettag s2;
	_ =	strace s9  }
0x27: {  	s1 =	sld [smem:$0x3FA8]  }
0x28: {  	s2 =	sld [smem:$0x3FA9]  }
0x29: {  	s4 =	sld [smem:$0x3FAB]  }
0x2a: {  	p0 =	seq.s32 s5, $0x0;
	s5 =	sld [smem:$0x3FAC]  }
0x2b: {  	s6 =	sld [smem:$0x3FAD]  }
0x2c: {  	s7 =	sld [smem:$0x3FAE]  }
0x2d: {  	s3 =	simm.s32 $0x108;
	s8 =	sld [smem:$0x3FAF]  }
0x2e: {  	s3 =	simm.s32 @!p0 $0x1082;
	s9 =	sld [smem:$0x3FB0]  }
0x2f: {  	lr =	sadd.s32 s0, s3;
	s0 =	sld [smem:$0x3FA7]  }
0x30: {  	s3 =	sld [smem:$0x3FAA]  }
0x31: {  	[smem:$0x3FB3] =	sst s10  }
0x32: {  	s10 =	sld [smem:$0x3FB1];
	_ =	sdelay $0x3  }
0x33: {  	p0 =	seq.s32 s10, $0x1;
	s10 =	sld [smem:$0x3FB3];
	_ =	sdelay $0x3  }
0x34: {  	[smem:$0x3FB3] =	sst s10  }
0x35: {  	s10 =	sld [smem:$0x3FB2];
	_ =	sdelay $0x3  }
0x36: {  	p1 =	seq.s32 s10, $0x1;
	s10 =	sld [smem:$0x3FB3];
	_ =	sdelay $0x3  }
0x37: {  	[smem:$0x3FB3] =	sst s10  }
0x38: {  	s10 =	sld [smem:$0x3FB4]  }
0x39: {  	_ = 	snop;
	(pc) =	sbr.ind lr, $3  }
0x3a: {  	_ = 	snop  }
0x3b: {  	_ = 	snop  }
0x3c: {  	p2 =	seq.s32 s10, $0x1;
	s10 =	sld [smem:$0x3FB3]  }
0x3d: {  	_ =	shalt  }
0x3e: {  	_ =	shalt  }
0x3f: {  	_ =	shalt  }
0x40: {  	_ =	shalt  }
0x41: {  	_ =	shalt  }
0x42: {  	_ =	shalt  }
0x43: {  	_ =	shalt  }
0x44: {  	_ =	shalt  }
0x45: {  	_ =	shalt  }
0x46: {  	_ =	shalt  }
0x47: {  	_ =	shalt  }
0x48: {  	_ =	shalt  }
0x49: {  	_ =	shalt  }
0x4a: {  	_ =	shalt  }
0x4b: {  	_ =	shalt  }
0x4c: {  	_ =	shalt  }
0x4d: {  	_ =	shalt  }
0x4e: {  	_ =	shalt  }
0x4f: {  	_ =	shalt  }
0x50: {  	_ =	shalt  }
0x51: {  	_ =	shalt  }
0x52: {  	_ =	shalt  }
0x53: {  	_ =	shalt  }
0x54: {  	_ =	shalt  }
0x55: {  	_ =	shalt  }
0x56: {  	_ =	shalt  }
0x57: {  	_ =	shalt  }
0x58: {  	_ =	shalt  }
0x59: {  	_ =	shalt  }
0x5a: {  	_ =	shalt  }
0x5b: {  	_ =	shalt  }
0x5c: {  	_ =	shalt  }
0x5d: {  	_ =	shalt  }
0x5e: {  	_ =	shalt  }
0x5f: {  	_ =	shalt  }
0x60: {  	_ =	shalt  }
0x61: {  	_ =	shalt  }
0x62: {  	_ =	shalt  }
0x63: {  	_ =	shalt  }
0x64: {  	_ =	shalt  }
0x65: {  	_ =	shalt  }
0x66: {  	_ =	shalt  }
0x67: {  	_ =	shalt  }
0x68: {  	_ =	shalt  }
0x69: {  	_ =	shalt  }
0x6a: {  	_ =	shalt  }
0x6b: {  	_ =	shalt  }
0x6c: {  	_ =	shalt  }
0x6d: {  	_ =	shalt  }
0x6e: {  	_ =	shalt  }
0x6f: {  	_ =	shalt  }
0x70: {  	_ =	shalt  }
0x71: {  	_ =	shalt  }
0x72: {  	_ =	shalt  }
0x73: {  	_ =	shalt  }
0x74: {  	_ =	shalt  }
0x75: {  	_ =	shalt  }
0x76: {  	_ =	shalt  }
0x77: {  	_ =	shalt  }
0x78: {  	_ =	shalt  }
0x79: {  	_ =	shalt  }
0x7a: {  	_ =	shalt  }
0x7b: {  	_ =	shalt  }
0x7c: {  	_ =	shalt  }
0x7d: {  	_ =	shalt  }
0x7e: {  	_ =	shalt  }
0x7f: {  	_ =	shalt  }
0x80: {  	_ =	shalt  }
0x81: {  	_ =	shalt  }
0x82: {  	_ =	shalt  }
0x83: {  	_ =	shalt  }
0x84: {  	_ =	shalt  }
0x85: {  	_ =	shalt  }
0x86: {  	_ =	shalt  }
0x87: {  	_ =	shalt  }
.Lfunc_end0:
.L_simem_size_0:
called_computation.1_lowered:
.L_overlay_start_0:
0x88: {  	s2 =	sld [smem:$0x3FD9]  }
0x89: {  	s3 =	sld [smem:$0x3FFE];
	_ =	sdelay $0x1  }
0x8a: {  	s1 =	srdreg.scid  }
0x8b: {  	s0 =	sand.u32 $0x1, s1  }
0x8c: {  	s17 =	sshll.u32 s0, $0xA;
	s2 =	sadd.s32 s3, s2  }
0x8d: {  	s2 =	sadd.s32 s2, s17  }
0x8e: {  	[smem:$0x3FBF] =	sst s2  }
0x8f: {  	_ = 	snop  }
0x90: {  	s2 =	sld [smem:$0x3FC9]  }
0x91: {  	s18 =	sld [smem:$0x3FD0];
	(tm) =	ssettm $0x1  }
0x92: {  	s4 =	sld [smem:$0x3FFB];
	_ =	sdelay $0x3  }
0x93: {  	_ =	strace s4  }
0x94: {  	s4 =	sld [smem:$0x3FFC];
	_ =	sdelay $0x3  }
0x95: {  	_ =	strace s4  }
0x96: {  	s4 =	sld [smem:$0x3FFD];
	_ =	sdelay $0x3  }
0x97: {  	_ =	strace s4  }
0x98: {  	_ =	strace $0x8FFFFFFF  }
0x99: {  	s19 =	sld [smem:$0x3FDB];
	_ =	sdelay $0x1  }
0x9a: {  	s5 =	simm.s32 $_scs_section_size  }
0x9b: {  	s6 =	simm.s32 $_size__tile_overlayer_lowered;
	s7 =	simm.s32 $_tile_overlayer_lowered  }
0x9c: {  	s22 =	simm.s32 $0x1BFF;
	s21 =	sshll.u32 s7, $0x1;
	s4 =	sadd.s32 s5, s19  }
0x9d: {  	s8 =	simm.s32 $0x0;
	s20 =	sshll.u32 s6, $0x1;
	s6 =	sadd.s32 s21, s4  }
0x9e: {  	[timem:s8], [sflag:s22] =	dma.local [hbm:s6], s20  }
0x9f: {  	_ =	swait.ge [sflag:s22], s20  }
0xa0: {  	s5 =	ssub.s32 $0x0, s20;
	[sflag:s22] =	ssyncset.done $0x0  }
0xa1: {  	[sflag:s22] =	ssyncadd.s32 s5;
	_ =	sdelay $0x1  }
0xa2: {  	s23 =	simm.s32 $0x1B8B  }
0xa3: {  	_ =	swait.ge [sflag:s23], $0x1  }
0xa4: {  	[sflag:s23] =	ssyncset.done $0x0  }
0xa5: {  	s25 =	simm.s32 $0x1B8E;
	s24 =	sld [smem:$0x3FFE];
	[sflag:s23] =	ssyncadd.s32 $0xFFFFFFFF  }
0xa6: {  	s26 =	simm.s32 $execute0_lowered;
	[smem:$0x3FD2] =	sst s25  }
0xa7: {  	s6 =	sshll.u32 s26, $0x1;
	_ =	strace $0x80000049;
	[dreg:$0x1] =	wrdreg $0xFFFFFFFF  }
0xa8: {  	s28 =	simm.s32 $_size_execute0_lowered;
	s4 =	sadd.s32 s4, s6;
	[dreg:$0x0] =	wrdreg $0x0  }
0xa9: {  	s6 =	sshll.u32 s28, $0x1;
	[dreg:$0x2] =	wrdreg s4  }
0xaa: {  	[dreg:$0x3] =	wrdreg s6  }
0xab: {  	[dreg:$0x4] =	wrdreg $0xC0  }
0xac: {  	_ =	task [dreg:s8], $0x5FFFF  }
0xad: {  	[dreg:$0x1] =	wrdreg $0xFFFFFFFF  }
0xae: {  	[dreg:$0x0] =	wrdreg $0x60  }
0xaf: {  	[dreg:$0x2] =	wrdreg s2  }
0xb0: {  	[dreg:$0x3] =	wrdreg s18  }
0xb1: {  	[dreg:$0x4] =	wrdreg s24  }
0xb2: {  	[dreg:$0x5] =	wrdreg $0x9  }
0xb3: {  	_ =	task.clear_ibuf [dreg:s8], $0x6FFFF;
	_ =	strace $0x90000049  }
0xb4: {  	s29 =	simm.s32 $0x9;
	_ =	strace $0x8000004B  }
0xb5: {  	_ =	swait.ge [sflag:s29], $0x1  }
0xb6: {  	[sflag:s29] =	ssyncadd.s32 $0xFFFFFFFF  }
0xb7: {  	_ =	strace $0x9000004B  }
0xb8: {  	_ =	sfence  }
0xb9: {  	s30 =	sld [smem:$0x0];
	_ =	sdelay $0x2  }
0xba: {  	s31 =	sshll.u32 s1, $0xD;
	s1 =	sshrl.u32 s1, $0x2  }
0xbb: {  	s3 =	sand.u32 $0x4000, s31;
	s1 =	sadd.s32 s1, s30  }
0xbc: {  	s0 =	sor.u32 s3, s0;
	s1 =	sshll.u32 s1, $0x11  }
0xbd: {  	s0 =	sor.u32 s1, s0  }
0xbe: {  	s0 =	sadd.s32 $0x8F2B, s0  }
0xbf: {  	[sflag:s0] =	ssyncadd.remote.s32 $0x1  }
0xc0: {  	_ =	sfence.sel $0xFFFF  }
0xc1: {  	[dreg:$0x0] =	wrdreg $0xFFFFFFFF;
	(pc) =	sbr.abs _section_cstart, $3  }
0xc2: {  	[dreg:$0x1] =	wrdreg $0xFFFFFFFF  }
0xc3: {  	_ =	task.clear_ibuf [dreg:s8], $0x2FFFF;
	_ =	strace $0x9FFFFFFF  }
0xc4: {  	(tm) =	ssettm $0x7FFFFFFF  }
0xc5: {  	_ =	shalt  }
tec
execute0_lowered:
.L_overlay_start_1:
0x0: {  	(tag) =	ssettag $0x1  }
0x1: {  	s1 =	rddreg [dreg:$0x0]  }
0x2: {  	s4 =	rddreg [dreg:$0x1]  }
0x3: {  	s5 =	rddreg [dreg:$0x2]  }
0x4: {  	s2 =	srdreg.scid;
	s0 =	rddreg [dreg:$0x3];
	s3 =	simm.s32 $0x0  }
0x5: {  	s10 =	simm.s32 $0x5580;
	s11 =	simm.s32 $0x100;
	s12 =	simm.s32 $0x9580  }
0x6: {  	s13 =	simm.s32 $0x7;
	s14 =	simm.s32 $0x6;
	s15 =	simm.s32 $0x5  }
0x7: {  	s16 =	simm.s32 $0x8;
	s6 =	sand.u32 $0x1, s2;
	s2 =	stileid.u32  }
0x8: {  	s17 =	simm.s32 $0x0;
	[smem:$0x7FF] =	sst s3;
	s7 =	smul.u32 $0xAC0000, s6  }
0x9: {  	s8 =	smul.u32 $0xAC000, s2;
	s9 =	sshll.u32 s6, $0x4;
	s6 =	ssub.s32 $0x2, s6  }
.Ltmp0:
0xa: {  	_ =	strace $0x8000004A;
	s9 =	sor.u32 s2, s9;
	(pc) =	sbr.rel .LBB2_1-.Ltmp0, $4  }
0xb: {  	s31 =	sshrl.u32 s6, $0x1;
	s7 =	sadd.s32 s8, s7;
	s9 =	smul.u32 $0x2B0, s9  }
0xc: {  	s6 =	ssub.s32 s6, s31;
	s8 =	simm.s32 $0x80;
	s7 =	sshrl.u32 s7, $0x3  }
0xd: {  	s7 =	sadd.s32 s7, s5;
	s4 =	sadd.s32 s4, s9;
	s5 =	smax.u32 s6, $0x1  }
0xe: {  	s9 =	simm.s32 $0x1580;
	s6 =	sadd.s32 $0x400, s7;
	s7 =	simm.s32 $0x9  }
.LBB2_8:
0xf: {  	_ =	swait.ge [sflag:s13], $0x4000  }
0x10: {  	[sflag:s13] =	ssyncset.done $0x0  }
0x11: {  	[sflag:s13] =	ssyncadd.s32 $0xFFFFC000  }
0x12: {  	_ =	swait.ge [sflag:s14], $0x4000  }
0x13: {  	[sflag:s14] =	ssyncset.done $0x0  }
0x14: {  	s17 =	sadd.s32 $0x1, s17;
	[sflag:s14] =	ssyncadd.s32 $0xFFFFC000  }
0x15: {  	p0 =	sne.s32 s17, s5;
	_ =	swait.ge [sflag:s15], $0x4000  }
.Ltmp1:
0x16: {  	[sflag:s15] =	ssyncset.done $0x0;
	(pc) =	sbr.rel @!p0 .LBB2_9-.Ltmp1, $4  }
0x17: {  	[sflag:s15] =	ssyncadd.s32 $0xFFFFC000  }
0x18: {  	_ =	swait.ge [sflag:s16], $0x4000  }
0x19: {  	[sflag:s16] =	ssyncset.done $0x0  }
0x1a: {  	[sflag:s16] =	ssyncadd.s32 $0xFFFFC000  }
.LBB2_1:
0x1b: {  	[tilespmem:s3], [sflag:$0x9] =	stream.linear.gather [hbm4b:s4+s3], $0x1580, $0x38;
	[tilespmem:$0x11580] =	vst v63  }
0x1c: {  	_ =	swait.ge [sflag:s7], $0x1580  }
0x1d: {  	[sflag:s7] =	ssyncset.done $0x0  }
0x1e: {  	[sflag:s7] =	ssyncadd.s32 $0xFFFFEA80  }
0x1f: {  	[tilespmem:s9], [sflag:$0x1] =	stream.indirect.gather [hbm4b:s1+s8], $0x80, s3, s8, $0xb8;
	[tilespmem:$0x11580] =	vst v63  }
.Ltmp2:
0x20: {  	_ = 	snop;
	(pc) =	sbr.rel .LBB2_2-.Ltmp2, $4  }
0x21: {  	_ = 	snop  }
0x22: {  	[tilespmem:s10], [sflag:$0x2] =	stream.indirect.gather [hbm4b:s1+s8], $0x80, s8, s8, $0xb8;
	[tilespmem:$0x11580] =	vst v63  }
0x23: {  	s19 =	simm.s32 $0xFFFFFFFF;
	s18 =	simm.s32 $0x180;
	s20 =	smov.u32 s6  }
0x24: {  	[tilespmem:s12], [sflag:$0x3] =	stream.indirect.gather [hbm4b:s1+s8], $0x80, s11, s8, $0xb8;
	[tilespmem:$0x11580] =	vst v63  }
.LBB2_3:
0x25: {  	s21 =	sand.u32 $0x3, s21  }
0x26: {  	s22 =	sadd.s32 $0x5, s21  }
0x27: {  	_ =	swait.ge [sflag:s22], $0x4000  }
0x28: {  	[sflag:s22] =	ssyncset.done $0x0  }
0x29: {  	[sflag:s22] =	ssyncadd.s32 $0xFFFFC000  }
.LBB2_6:
0x2a: {  	s22 =	sshll.u32 s21, $0xE  }
0x2b: {  	s31 =	sadd.s32 $0x1, s21;
	s22 =	sor.u32 $0x1580, s22  }
0x2c: {  	[tilespmem:s22], [sflag:s31] =	stream.indirect.gather [hbm4b:s1+s8], $0x80, s18, s8, $0xb8;
	[tilespmem:$0x11580] =	vst v63  }
.LBB2_7:
0x2d: {  	p0 =	sne.s32 s19, $0x2A  }
.Ltmp3:
0x2e: {  	_ = 	snop;
	(pc) =	sbr.rel @!p0 .LBB2_8-.Ltmp3, $2  }
0x2f: {  	_ =	sdelay $0x2  }
0x30: {  	s20 =	sadd.s32 $0x800, s20;
	s18 =	sadd.s32 $0x80, s18  }
.LBB2_2:
0x31: {  	s21 =	smov.u32 s19;
	s19 =	sadd.s32 $0x1, s19  }
0x32: {  	s22 =	sand.u32 $0x3, s19;
	p0 =	sgt.u32 s21, $0x26  }
.Ltmp4:
0x33: {  	s23 =	sadd.s32 $0x1, s22;
	(pc) =	sbr.rel @!p0 .LBB2_3-.Ltmp4, $4  }
0x34: {  	_ =	swait.ge [sflag:s23], $0x4000  }
0x35: {  	s21 =	sadd.s32 $0x4, s21;
	s24 =	sshll.u32 s22, $0xE;
	[sflag:s23] =	ssyncset.done $0x0  }
0x36: {  	s22 =	sadd.s32 $0x5, s22;
	s31 =	sor.u32 $0x1580, s24;
	[sflag:s23] =	ssyncadd.s32 $0xFFFFC000  }
0x37: {  	[hbm4b:s20+s3] =	stream.linear.scatter [tilespmem:s31], [sflag:s22], $0x4000, $0x38;
	[tilespmem:$0x11580] =	vst v63  }
0x38: {  	p0 =	sgt.u32 s19, $0x27  }
.Ltmp5:
0x39: {  	_ = 	snop;
	(pc) =	sbr.rel @p0 .LBB2_7-.Ltmp5, $1  }
0x3a: {  	_ =	sdelay $0x3  }
.Ltmp6:
0x3b: {  	(pc) =	sbr.rel .LBB2_6-.Ltmp6, $2  }
0x3c: {  	_ =	sdelay $0x2  }
0x3d: {  	s21 =	sand.u32 $0x3, s21  }
.LBB2_9:
0x3e: {  	_ =	sfence.sel $0x180000  }
0x3f: {  	[bflag:$0x0] =	sbarrier.arrive $0xFFFF  }
0x40: {  	p0 =	sne.s32 s2, $0x0;
	_ =	strace $0x9000004A  }
0x41: {  	s0 =	sadd.s32 @!p0 $0x100000, s0;
	[bflag:$0x2] =	sbarrier.arrive $0xFFFF  }
0x42: {  	[sflag:s0] =	ssyncadd.tile.s32 @!p0 $0x1;
	_ =	shalt  }
.Lfunc_end2:
_tile_overlayer_lowered:
.L_overlay_start_2:
0x43: {  	(tag) =	ssettag $0x2  }
0x44: {  	s0 =	rddreg [dreg:$0x0];
	s2 =	stileid.u32  }
0x45: {  	s1 =	rddreg [dreg:$0x1];
	p0 =	sne.s32 s2, $0x0  }
0x46: {  	s3 =	rddreg [dreg:$0x2];
	[bflag:$0x3] =	sbarrier.arrive $0xFFFF;
	s2 =	simm.s32 @!p0 $0x1C09  }
0x47: {  	[timem:s3], [sflag:s2] =	dma.local @!p0 [hbm:s0], s1  }
0x48: {  	s0 =	simm.s32 @!p0 $0x9  }
0x49: {  	_ =	swait.ge @!p0 [sflag:s0], s1  }
0x4a: {  	s1 =	ssub.s32 @!p0 $0x0, s1;
	[sflag:s0] =	ssyncset.done @!p0 $0x0  }
0x4b: {  	[sflag:s0] =	ssyncadd.s32 @!p0 s1  }
0x4c: {  	[bflag:$0x3] =	sbarrier.arrive $0xFFFF  }
0x4d: {  	_ =	shalt  }

// kernel: kernel.8.cloned.1.call-start
scs
__scs_entry_jumppad:
0x0: {  	(pc) =	sbr.rel $0x88, $3  }
0x1: {  	(tag) =	ssettag $0x0;
	lr =	simm.s32 $0x1  }
0x2: {  	[smem:$0x3F98] =	sst lr;
	_ =	strace $0xD0000000  }
0x3: {  	_ = 	snop  }
0x4: {  	_ = 	snop  }
0x5: {  	_ = 	snop  }
0x6: {  	_ = 	snop  }
0x7: {  	_ = 	snop  }
__scs_overlays_trampoline_lowered:
0x8: {  	[smem:$0x3FA7] =	sst s0  }
0x9: {  	[smem:$0x3FA8] =	sst s1  }
0xa: {  	[smem:$0x3FA9] =	sst s2  }
0xb: {  	[smem:$0x3FAA] =	sst s3  }
0xc: {  	[smem:$0x3FAB] =	sst s4  }
0xd: {  	[smem:$0x3FAC] =	sst s5  }
0xe: {  	[smem:$0x3FAD] =	sst s6  }
0xf: {  	[smem:$0x3FAE] =	sst s7  }
0x10: {  	[smem:$0x3FAF] =	sst s8  }
0x11: {  	[smem:$0x3FB0] =	sst s9;
	s0 =	simm.s32 @!p0 $0x0  }
0x12: {  	s1 =	sld [smem:$0x3F96];
	s0 =	simm.s32 @p0 $0x1  }
0x13: {  	[smem:$0x3FB1] =	sst s0;
	s0 =	simm.s32 @!p1 $0x0  }
0x14: {  	s2 =	sld [smem:$0x3F95];
	s0 =	simm.s32 @p1 $0x1  }
0x15: {  	[smem:$0x3FB2] =	sst s0;
	s0 =	simm.s32 @!p2 $0x0  }
0x16: {  	s3 =	sld [smem:$0x3FDB];
	s0 =	simm.s32 @p2 $0x1  }
0x17: {  	s4 =	simm.s32 $0x1BF5;
	[smem:$0x3FB4] =	sst s0  }
0x18: {  	s0 =	sld [smem:$0x3F97];
	_ =	swait.ge [sflag:s4], $0x0  }
0x19: {  	s7 =	sld [smem:$0x3F98]  }
0x1a: {  	s8 =	sadd.s32 $0xFFFFE003, lr  }
0x1b: {  	s9 =	sadd.s32 $0xFFFFFEF7, lr;
	s5 =	simm.s32 $0xFFFFFFFF;
	p2 =	slt.u32 s8, $0xFFFFF086  }
0x1c: {  	p1 =	slt.u32 s9, $0xF7A;
	s5 =	simm.s32 @!p2 $0x0  }
0x1d: {  	s5 =	simm.s32 @p1 $0x1;
	p0 =	seq.s32 s7, s2  }
0x1e: {  	s7 =	smul.u32 @!p0 $0xF7A, s2;
	p2 =	seq.s32 @!p0 s5, $0x0  }
0x1f: {  	s9 =	smul.u32 $0xF7A, s1;
	s8 =	simm.s32 @!p0 $0x1BF5;
	p2 =	por !p2, p0  }
0x20: {  	[sflag:s8] =	ssyncset.s32 @!p0 $0xFFFFF086;
	s6 =	sadd.s32 @!p0 s3, s7;
	s7 =	simm.s32 @!p0 $0x108  }
0x21: {  	s3 =	sadd.s32 s3, s9;
	s6 =	sadd.s32 @!p0 $0x88, s6;
	s7 =	simm.s32 @p2 $0x1082  }
0x22: {  	[simem:s7], [sflag:s8] =	dma.local @!p0 [hbm:s6], $0xF7A  }
0x23: {  	s9 =	sor.u32 $0xD0000000, s2;
	s6 =	simm.s32 $0x108;
	_ =	swait.ge @!p0 [sflag:s8], $0x0  }
0x24: {  	s3 =	sadd.s32 $0x88, s3;
	s6 =	simm.s32 @!p1 $0x1082;
	[sflag:s4] =	ssyncset.s32 $0xFFFFF086  }
0x25: {  	[simem:s6], [sflag:s4] =	dma.local [hbm:s3], $0xF7A  }
0x26: {  	[smem:$0x3F98] =	sst s1;
	(tag) =	ssettag s2;
	_ =	strace s9  }
0x27: {  	s1 =	sld [smem:$0x3FA8]  }
0x28: {  	s2 =	sld [smem:$0x3FA9]  }
0x29: {  	s4 =	sld [smem:$0x3FAB]  }
0x2a: {  	p0 =	seq.s32 s5, $0x0;
	s5 =	sld [smem:$0x3FAC]  }
0x2b: {  	s6 =	sld [smem:$0x3FAD]  }
0x2c: {  	s7 =	sld [smem:$0x3FAE]  }
0x2d: {  	s3 =	simm.s32 $0x108;
	s8 =	sld [smem:$0x3FAF]  }
0x2e: {  	s3 =	simm.s32 @!p0 $0x1082;
	s9 =	sld [smem:$0x3FB0]  }
0x2f: {  	lr =	sadd.s32 s0, s3;
	s0 =	sld [smem:$0x3FA7]  }
0x30: {  	s3 =	sld [smem:$0x3FAA]  }
0x31: {  	[smem:$0x3FB3] =	sst s10  }
0x32: {  	s10 =	sld [smem:$0x3FB1];
	_ =	sdelay $0x3  }
0x33: {  	p0 =	seq.s32 s10, $0x1;
	s10 =	sld [smem:$0x3FB3];
	_ =	sdelay $0x3  }
0x34: {  	[smem:$0x3FB3] =	sst s10  }
0x35: {  	s10 =	sld [smem:$0x3FB2];
	_ =	sdelay $0x3  }
0x36: {  	p1 =	seq.s32 s10, $0x1;
	s10 =	sld [smem:$0x3FB3];
	_ =	sdelay $0x3  }
0x37: {  	[smem:$0x3FB3] =	sst s10  }
0x38: {  	s10 =	sld [smem:$0x3FB4]  }
0x39: {  	_ = 	snop;
	(pc) =	sbr.ind lr, $3  }
0x3a: {  	_ = 	snop  }
0x3b: {  	_ = 	snop  }
0x3c: {  	p2 =	seq.s32 s10, $0x1;
	s10 =	sld [smem:$0x3FB3]  }
0x3d: {  	_ =	shalt  }
0x3e: {  	_ =	shalt  }
0x3f: {  	_ =	shalt  }
0x40: {  	_ =	shalt  }
0x41: {  	_ =	shalt  }
0x42: {  	_ =	shalt  }
0x43: {  	_ =	shalt  }
0x44: {  	_ =	shalt  }
0x45: {  	_ =	shalt  }
0x46: {  	_ =	shalt  }
0x47: {  	_ =	shalt  }
0x48: {  	_ =	shalt  }
0x49: {  	_ =	shalt  }
0x4a: {  	_ =	shalt  }
0x4b: {  	_ =	shalt  }
0x4c: {  	_ =	shalt  }
0x4d: {  	_ =	shalt  }
0x4e: {  	_ =	shalt  }
0x4f: {  	_ =	shalt  }
0x50: {  	_ =	shalt  }
0x51: {  	_ =	shalt  }
0x52: {  	_ =	shalt  }
0x53: {  	_ =	shalt  }
0x54: {  	_ =	shalt  }
0x55: {  	_ =	shalt  }
0x56: {  	_ =	shalt  }
0x57: {  	_ =	shalt  }
0x58: {  	_ =	shalt  }
0x59: {  	_ =	shalt  }
0x5a: {  	_ =	shalt  }
0x5b: {  	_ =	shalt  }
0x5c: {  	_ =	shalt  }
0x5d: {  	_ =	shalt  }
0x5e: {  	_ =	shalt  }
0x5f: {  	_ =	shalt  }
0x60: {  	_ =	shalt  }
0x61: {  	_ =	shalt  }
0x62: {  	_ =	shalt  }
0x63: {  	_ =	shalt  }
0x64: {  	_ =	shalt  }
0x65: {  	_ =	shalt  }
0x66: {  	_ =	shalt  }
0x67: {  	_ =	shalt  }
0x68: {  	_ =	shalt  }
0x69: {  	_ =	shalt  }
0x6a: {  	_ =	shalt  }
0x6b: {  	_ =	shalt  }
0x6c: {  	_ =	shalt  }
0x6d: {  	_ =	shalt  }
0x6e: {  	_ =	shalt  }
0x6f: {  	_ =	shalt  }
0x70: {  	_ =	shalt  }
0x71: {  	_ =	shalt  }
0x72: {  	_ =	shalt  }
0x73: {  	_ =	shalt  }
0x74: {  	_ =	shalt  }
0x75: {  	_ =	shalt  }
0x76: {  	_ =	shalt  }
0x77: {  	_ =	shalt  }
0x78: {  	_ =	shalt  }
0x79: {  	_ =	shalt  }
0x7a: {  	_ =	shalt  }
0x7b: {  	_ =	shalt  }
0x7c: {  	_ =	shalt  }
0x7d: {  	_ =	shalt  }
0x7e: {  	_ =	shalt  }
0x7f: {  	_ =	shalt  }
0x80: {  	_ =	shalt  }
0x81: {  	_ =	shalt  }
0x82: {  	_ =	shalt  }
0x83: {  	_ =	shalt  }
0x84: {  	_ =	shalt  }
0x85: {  	_ =	shalt  }
0x86: {  	_ =	shalt  }
0x87: {  	_ =	shalt  }
.Lfunc_end0:
.L_simem_size_0:
called_computation.2_lowered:
.L_overlay_start_0:
0x88: {  	s2 =	sld [smem:$0x3FD9]  }
0x89: {  	s3 =	sld [smem:$0x3FFE];
	_ =	sdelay $0x1  }
0x8a: {  	s1 =	srdreg.scid  }
0x8b: {  	s0 =	sand.u32 $0x1, s1  }
0x8c: {  	s16 =	sshll.u32 s0, $0xA;
	s2 =	sadd.s32 s3, s2  }
0x8d: {  	s2 =	sadd.s32 s2, s16  }
0x8e: {  	[smem:$0x3FBF] =	sst s2  }
0x8f: {  	_ = 	snop  }
0x90: {  	(tm) =	ssettm $0x1  }
0x91: {  	s17 =	sld [smem:$0x3FFB];
	_ =	sdelay $0x3  }
0x92: {  	_ =	strace s17  }
0x93: {  	s2 =	sld [smem:$0x3FFC];
	_ =	sdelay $0x3  }
0x94: {  	_ =	strace s2  }
0x95: {  	s2 =	sld [smem:$0x3FFD];
	_ =	sdelay $0x3  }
0x96: {  	_ =	strace s2  }
0x97: {  	_ =	strace $0x8FFFFFFF  }
0x98: {  	s18 =	sld [smem:$0x3FDB];
	_ =	sdelay $0x1  }
0x99: {  	s19 =	simm.s32 $_scs_section_size  }
0x9a: {  	s4 =	simm.s32 $_size__tile_overlayer_lowered;
	s5 =	simm.s32 $_tile_overlayer_lowered  }
0x9b: {  	s22 =	simm.s32 $0x1BFF;
	s21 =	sshll.u32 s5, $0x1;
	s2 =	sadd.s32 s19, s18  }
0x9c: {  	s6 =	simm.s32 $0x0;
	s20 =	sshll.u32 s4, $0x1;
	s4 =	sadd.s32 s21, s2  }
0x9d: {  	[timem:s6], [sflag:s22] =	dma.local [hbm:s4], s20  }
0x9e: {  	_ =	swait.ge [sflag:s22], s20  }
0x9f: {  	s3 =	ssub.s32 $0x0, s20;
	[sflag:s22] =	ssyncset.done $0x0  }
0xa0: {  	[sflag:s22] =	ssyncadd.s32 s3;
	_ =	sdelay $0x1  }
0xa1: {  	s23 =	simm.s32 $0x1B8B  }
0xa2: {  	_ =	swait.ge [sflag:s23], $0x1  }
0xa3: {  	[sflag:s23] =	ssyncset.done $0x0  }
0xa4: {  	s25 =	simm.s32 $0x1B8E;
	s24 =	sld [smem:$0x3FFE];
	[sflag:s23] =	ssyncadd.s32 $0xFFFFFFFF  }
0xa5: {  	s26 =	simm.s32 $execute0_lowered;
	[smem:$0x3FD2] =	sst s25  }
0xa6: {  	s4 =	sshll.u32 s26, $0x1;
	_ =	strace $0x8000004C;
	[dreg:$0x1] =	wrdreg $0xFFFFFFFF  }
0xa7: {  	s28 =	simm.s32 $_size_execute0_lowered;
	s2 =	sadd.s32 s2, s4;
	[dreg:$0x0] =	wrdreg $0x0  }
0xa8: {  	s4 =	sshll.u32 s28, $0x1;
	[dreg:$0x2] =	wrdreg s2  }
0xa9: {  	[dreg:$0x3] =	wrdreg s4  }
0xaa: {  	[dreg:$0x4] =	wrdreg $0xC0  }
0xab: {  	_ =	task [dreg:s6], $0x5FFFF  }
0xac: {  	[dreg:$0x1] =	wrdreg $0xFFFFFFFF  }
0xad: {  	[dreg:$0x0] =	wrdreg $0x60  }
0xae: {  	[dreg:$0x2] =	wrdreg s24  }
0xaf: {  	[dreg:$0x3] =	wrdreg $0x9  }
0xb0: {  	_ =	task.clear_ibuf [dreg:s6], $0x4FFFF;
	_ =	strace $0x9000004C  }
0xb1: {  	s29 =	simm.s32 $0x9;
	_ =	strace $0x8000004E  }
0xb2: {  	_ =	swait.ge [sflag:s29], $0x1  }
0xb3: {  	[sflag:s29] =	ssyncadd.s32 $0xFFFFFFFF  }
0xb4: {  	_ =	strace $0x9000004E  }
0xb5: {  	_ =	sfence  }
0xb6: {  	s30 =	sld [smem:$0x0];
	_ =	sdelay $0x2  }
0xb7: {  	s31 =	sshll.u32 s1, $0xD;
	s1 =	sshrl.u32 s1, $0x2  }
0xb8: {  	s3 =	sand.u32 $0x4000, s31;
	s1 =	sadd.s32 s1, s30  }
0xb9: {  	s0 =	sor.u32 s3, s0;
	s1 =	sshll.u32 s1, $0x11  }
0xba: {  	s0 =	sor.u32 s1, s0  }
0xbb: {  	s0 =	sadd.s32 $0x8F2B, s0  }
0xbc: {  	[sflag:s0] =	ssyncadd.remote.s32 $0x1  }
0xbd: {  	_ =	sfence.sel $0xFFFF  }
0xbe: {  	[dreg:$0x0] =	wrdreg $0xFFFFFFFF;
	(pc) =	sbr.abs _section_cstart, $3  }
0xbf: {  	[dreg:$0x1] =	wrdreg $0xFFFFFFFF  }
0xc0: {  	_ =	task.clear_ibuf [dreg:s6], $0x2FFFF;
	_ =	strace $0x9FFFFFFF  }
0xc1: {  	(tm) =	ssettm $0x7FFFFFFF  }
tec
execute0_lowered:
.L_overlay_start_1:
0x0: {  	(tag) =	ssettag $0x1  }
0x1: {  	s0 =	srdreg.scid  }
0x2: {  	s18 =	sand.u32 $0x1, s0  }
0x3: {  	s0 =	stileid.u32;
	s1 =	sshll.u32 s18, $0x4  }
0x4: {  	s8 =	sor.u32 s0, s1  }
0x5: {  	s4 =	smul.u32 $0x30, s8  }
0x6: {  	s2 =	rddreg [dreg:$0x0];
	s3 =	simm.s32 $0x0  }
0x7: {  	s5 =	simm.s32 $0x9;
	[smem:$0x7FF] =	sst s3;
	s4 =	sadd.s32 s4, s2  }
0x8: {  	s1 =	rddreg [dreg:$0x1];
	_ =	strace $0x8000004D;
	s4 =	sadd.s32 $0x2B0400, s4  }
0x9: {  	[tilespmem:s3], [sflag:$0x9] =	stream.linear.gather [hbm4b:s4+s3], $0x180, $0x38;
	[tilespmem:$0x10180] =	vst v63  }
0xa: {  	_ =	swait.ge [sflag:s5], $0x180  }
0xb: {  	[sflag:s5] =	ssyncset.done $0x0  }
0xc: {  	s6 =	simm.s32 $0x80;
	s7 =	simm.s32 $0x180;
	[sflag:s5] =	ssyncadd.s32 $0xFFFFFE80  }
0xd: {  	[tilespmem:s7], [sflag:$0x1] =	stream.indirect.gather [hbm4b:s2+s6], $0x80, s3, s6, $0xb8;
	[tilespmem:$0x10180] =	vst v63  }
0xe: {  	s12 =	smul.u32 $0xC000, s8;
	s8 =	simm.s32 $0x4180  }
0xf: {  	[tilespmem:s8], [sflag:$0x2] =	stream.indirect.gather [hbm4b:s2+s6], $0x80, s6, s6, $0xb8;
	[tilespmem:$0x10180] =	vst v63  }
0x10: {  	s9 =	simm.s32 $0x100;
	s10 =	simm.s32 $0x8180;
	s11 =	simm.s32 $0x1  }
0x11: {  	[tilespmem:s10], [sflag:$0x3] =	stream.indirect.gather [hbm4b:s2+s6], $0x80, s9, s6, $0xb8;
	[tilespmem:$0x10180] =	vst v63  }
0x12: {  	s12 =	sshrl.u32 s12, $0x3;
	_ =	swait.ge [sflag:s11], $0x4000  }
0x13: {  	s16 =	sadd.s32 s12, s2;
	[sflag:s11] =	ssyncset.done $0x0  }
0x14: {  	s13 =	simm.s32 $0x2;
	s12 =	sadd.s32 $0x30000, s16;
	[sflag:s11] =	ssyncadd.s32 $0xFFFFC000  }
0x15: {  	[hbm4b:s12+s3] =	stream.linear.scatter [tilespmem:s7], [sflag:$0x5], $0x4000, $0x38;
	[tilespmem:$0x10180] =	vst v63  }
0x16: {  	_ =	swait.ge [sflag:s13], $0x4000  }
0x17: {  	[sflag:s13] =	ssyncset.done $0x0  }
0x18: {  	s15 =	simm.s32 $0x3;
	s14 =	sadd.s32 $0x30800, s16;
	[sflag:s13] =	ssyncadd.s32 $0xFFFFC000  }
0x19: {  	[hbm4b:s14+s3] =	stream.linear.scatter [tilespmem:s8], [sflag:$0x6], $0x4000, $0x38;
	[tilespmem:$0x10180] =	vst v63  }
0x1a: {  	_ =	swait.ge [sflag:s15], $0x4000  }
0x1b: {  	s17 =	simm.s32 $0x7;
	s19 =	ssub.s32 $0x2, s18;
	[sflag:s15] =	ssyncset.done $0x0  }
0x1c: {  	s20 =	sshrl.u32 s19, $0x1;
	s16 =	sadd.s32 $0x31000, s16;
	[sflag:s15] =	ssyncadd.s32 $0xFFFFC000  }
0x1d: {  	[hbm4b:s16+s3] =	stream.linear.scatter [tilespmem:s10], [sflag:$0x7], $0x4000, $0x38;
	[tilespmem:$0x10180] =	vst v63  }
0x1e: {  	s19 =	ssub.s32 s19, s20;
	_ =	swait.ge [sflag:s17], $0x4000  }
0x1f: {  	s20 =	smax.u32 s19, $0x1;
	[sflag:s17] =	ssyncset.done $0x0  }
0x20: {  	s18 =	simm.s32 $0x6;
	p0 =	sne.s32 s20, $0x1;
	[sflag:s17] =	ssyncadd.s32 $0xFFFFC000  }
.Ltmp0:
0x21: {  	_ =	swait.ge [sflag:s18], $0x4000;
	(pc) =	sbr.rel @!p0 .LBB2_2-.Ltmp0, $4  }
0x22: {  	[sflag:s18] =	ssyncset.done $0x0  }
0x23: {  	s19 =	simm.s32 $0x5;
	[sflag:s18] =	ssyncadd.s32 $0xFFFFC000  }
0x24: {  	_ =	swait.ge [sflag:s19], $0x4000  }
0x25: {  	s20 =	sadd.s32 $0xFFFFFFFF, s20;
	[sflag:s19] =	ssyncset.done $0x0  }
.LBB2_1:
0x26: {  	p0 =	sne.s32 s20, $0x1;
	s20 =	sadd.s32 $0xFFFFFFFF, s20;
	[sflag:s19] =	ssyncadd.s32 $0xFFFFC000  }
0x27: {  	[tilespmem:s3], [sflag:$0x9] =	stream.linear.gather [hbm4b:s4+s3], $0x180, $0x38;
	[tilespmem:$0x10180] =	vst v63  }
0x28: {  	_ =	swait.ge [sflag:s5], $0x180  }
0x29: {  	[sflag:s5] =	ssyncset.done $0x0  }
0x2a: {  	[sflag:s5] =	ssyncadd.s32 $0xFFFFFE80  }
0x2b: {  	[tilespmem:s7], [sflag:$0x1] =	stream.indirect.gather [hbm4b:s2+s6], $0x80, s3, s6, $0xb8;
	[tilespmem:$0x10180] =	vst v63  }
0x2c: {  	_ = 	snop  }
0x2d: {  	[tilespmem:s8], [sflag:$0x2] =	stream.indirect.gather [hbm4b:s2+s6], $0x80, s6, s6, $0xb8;
	[tilespmem:$0x10180] =	vst v63  }
0x2e: {  	_ = 	snop  }
0x2f: {  	[tilespmem:s10], [sflag:$0x3] =	stream.indirect.gather [hbm4b:s2+s6], $0x80, s9, s6, $0xb8;
	[tilespmem:$0x10180] =	vst v63  }
0x30: {  	_ =	swait.ge [sflag:s11], $0x4000  }
0x31: {  	[sflag:s11] =	ssyncset.done $0x0  }
0x32: {  	[sflag:s11] =	ssyncadd.s32 $0xFFFFC000  }
0x33: {  	[hbm4b:s12+s3] =	stream.linear.scatter [tilespmem:s7], [sflag:$0x5], $0x4000, $0x38;
	[tilespmem:$0x10180] =	vst v63  }
0x34: {  	_ =	swait.ge [sflag:s13], $0x4000  }
0x35: {  	[sflag:s13] =	ssyncset.done $0x0  }
0x36: {  	[sflag:s13] =	ssyncadd.s32 $0xFFFFC000  }
0x37: {  	[hbm4b:s14+s3] =	stream.linear.scatter [tilespmem:s8], [sflag:$0x6], $0x4000, $0x38;
	[tilespmem:$0x10180] =	vst v63  }
0x38: {  	_ =	swait.ge [sflag:s15], $0x4000  }
0x39: {  	[sflag:s15] =	ssyncset.done $0x0  }
0x3a: {  	[sflag:s15] =	ssyncadd.s32 $0xFFFFC000  }
0x3b: {  	[hbm4b:s16+s3] =	stream.linear.scatter [tilespmem:s10], [sflag:$0x7], $0x4000, $0x38;
	[tilespmem:$0x10180] =	vst v63  }
0x3c: {  	_ =	swait.ge [sflag:s17], $0x4000  }
0x3d: {  	[sflag:s17] =	ssyncset.done $0x0  }
0x3e: {  	[sflag:s17] =	ssyncadd.s32 $0xFFFFC000  }
.Ltmp1:
0x3f: {  	_ =	swait.ge [sflag:s18], $0x4000;
	(pc) =	sbr.rel @p0 .LBB2_1-.Ltmp1, $4  }
0x40: {  	[sflag:s18] =	ssyncset.done $0x0  }
0x41: {  	[sflag:s18] =	ssyncadd.s32 $0xFFFFC000  }
0x42: {  	_ =	swait.ge [sflag:s19], $0x4000  }
0x43: {  	[sflag:s19] =	ssyncset.done $0x0  }
.LBB2_2:
0x44: {  	[sflag:s19] =	ssyncadd.s32 $0xFFFFC000  }
0x45: {  	_ =	sfence.sel $0x180000  }
0x46: {  	[bflag:$0x0] =	sbarrier.arrive $0xFFFF  }
0x47: {  	p0 =	sne.s32 s0, $0x0;
	_ =	strace $0x9000004D  }
0x48: {  	s0 =	sadd.s32 @!p0 $0x100000, s1;
	[bflag:$0x2] =	sbarrier.arrive $0xFFFF  }
0x49: {  	[sflag:s0] =	ssyncadd.tile.s32 @!p0 $0x1;
	_ =	shalt  }
.Lfunc_end2:
_tile_overlayer_lowered:
.L_overlay_start_2:
0x4a: {  	(tag) =	ssettag $0x2  }
0x4b: {  	s0 =	rddreg [dreg:$0x0];
	s2 =	stileid.u32  }
0x4c: {  	s1 =	rddreg [dreg:$0x1];
	p0 =	sne.s32 s2, $0x0  }
0x4d: {  	s3 =	rddreg [dreg:$0x2];
	[bflag:$0x3] =	sbarrier.arrive $0xFFFF;
	s2 =	simm.s32 @!p0 $0x1C09  }
0x4e: {  	[timem:s3], [sflag:s2] =	dma.local @!p0 [hbm:s0], s1  }
0x4f: {  	s0 =	simm.s32 @!p0 $0x9  }
0x50: {  	_ =	swait.ge @!p0 [sflag:s0], s1  }
0x51: {  	s1 =	ssub.s32 @!p0 $0x0, s1;
	[sflag:s0] =	ssyncset.done @!p0 $0x0  }
0x52: {  	[sflag:s0] =	ssyncadd.s32 @!p0 s1  }
0x53: {  	[bflag:$0x3] =	sbarrier.arrive $0xFFFF  }
0x54: {  	_ =	shalt  }

// kernel: scatter_offload_async_start
scs
__scs_entry_jumppad:
0x0: {  	(pc) =	sbr.rel $0x88, $3  }
0x1: {  	(tag) =	ssettag $0x0;
	lr =	simm.s32 $0x1  }
0x2: {  	[smem:$0x3F98] =	sst lr;
	_ =	strace $0xD0000000  }
0x3: {  	_ = 	snop  }
0x4: {  	_ = 	snop  }
0x5: {  	_ = 	snop  }
0x6: {  	_ = 	snop  }
0x7: {  	_ = 	snop  }
__scs_overlays_trampoline_lowered:
0x8: {  	[smem:$0x3FA7] =	sst s0  }
0x9: {  	[smem:$0x3FA8] =	sst s1  }
0xa: {  	[smem:$0x3FA9] =	sst s2  }
0xb: {  	[smem:$0x3FAA] =	sst s3  }
0xc: {  	[smem:$0x3FAB] =	sst s4  }
0xd: {  	[smem:$0x3FAC] =	sst s5  }
0xe: {  	[smem:$0x3FAD] =	sst s6  }
0xf: {  	[smem:$0x3FAE] =	sst s7  }
0x10: {  	[smem:$0x3FAF] =	sst s8  }
0x11: {  	[smem:$0x3FB0] =	sst s9;
	s0 =	simm.s32 @!p0 $0x0  }
0x12: {  	s1 =	sld [smem:$0x3F96];
	s0 =	simm.s32 @p0 $0x1  }
0x13: {  	[smem:$0x3FB1] =	sst s0;
	s0 =	simm.s32 @!p1 $0x0  }
0x14: {  	s2 =	sld [smem:$0x3F95];
	s0 =	simm.s32 @p1 $0x1  }
0x15: {  	[smem:$0x3FB2] =	sst s0;
	s0 =	simm.s32 @!p2 $0x0  }
0x16: {  	s3 =	sld [smem:$0x3FDB];
	s0 =	simm.s32 @p2 $0x1  }
0x17: {  	s4 =	simm.s32 $0x1BF5;
	[smem:$0x3FB4] =	sst s0  }
0x18: {  	s0 =	sld [smem:$0x3F97];
	_ =	swait.ge [sflag:s4], $0x0  }
0x19: {  	s7 =	sld [smem:$0x3F98]  }
0x1a: {  	s8 =	sadd.s32 $0xFFFFE003, lr  }
0x1b: {  	s9 =	sadd.s32 $0xFFFFFEF7, lr;
	s5 =	simm.s32 $0xFFFFFFFF;
	p2 =	slt.u32 s8, $0xFFFFF086  }
0x1c: {  	p1 =	slt.u32 s9, $0xF7A;
	s5 =	simm.s32 @!p2 $0x0  }
0x1d: {  	s5 =	simm.s32 @p1 $0x1;
	p0 =	seq.s32 s7, s2  }
0x1e: {  	s7 =	smul.u32 @!p0 $0xF7A, s2;
	p2 =	seq.s32 @!p0 s5, $0x0  }
0x1f: {  	s9 =	smul.u32 $0xF7A, s1;
	s8 =	simm.s32 @!p0 $0x1BF5;
	p2 =	por !p2, p0  }
0x20: {  	[sflag:s8] =	ssyncset.s32 @!p0 $0xFFFFF086;
	s6 =	sadd.s32 @!p0 s3, s7;
	s7 =	simm.s32 @!p0 $0x108  }
0x21: {  	s3 =	sadd.s32 s3, s9;
	s6 =	sadd.s32 @!p0 $0x88, s6;
	s7 =	simm.s32 @p2 $0x1082  }
0x22: {  	[simem:s7], [sflag:s8] =	dma.local @!p0 [hbm:s6], $0xF7A  }
0x23: {  	s9 =	sor.u32 $0xD0000000, s2;
	s6 =	simm.s32 $0x108;
	_ =	swait.ge @!p0 [sflag:s8], $0x0  }
0x24: {  	s3 =	sadd.s32 $0x88, s3;
	s6 =	simm.s32 @!p1 $0x1082;
	[sflag:s4] =	ssyncset.s32 $0xFFFFF086  }
0x25: {  	[simem:s6], [sflag:s4] =	dma.local [hbm:s3], $0xF7A  }
0x26: {  	[smem:$0x3F98] =	sst s1;
	(tag) =	ssettag s2;
	_ =	strace s9  }
0x27: {  	s1 =	sld [smem:$0x3FA8]  }
0x28: {  	s2 =	sld [smem:$0x3FA9]  }
0x29: {  	s4 =	sld [smem:$0x3FAB]  }
0x2a: {  	p0 =	seq.s32 s5, $0x0;
	s5 =	sld [smem:$0x3FAC]  }
0x2b: {  	s6 =	sld [smem:$0x3FAD]  }
0x2c: {  	s7 =	sld [smem:$0x3FAE]  }
0x2d: {  	s3 =	simm.s32 $0x108;
	s8 =	sld [smem:$0x3FAF]  }
0x2e: {  	s3 =	simm.s32 @!p0 $0x1082;
	s9 =	sld [smem:$0x3FB0]  }
0x2f: {  	lr =	sadd.s32 s0, s3;
	s0 =	sld [smem:$0x3FA7]  }
0x30: {  	s3 =	sld [smem:$0x3FAA]  }
0x31: {  	[smem:$0x3FB3] =	sst s10  }
0x32: {  	s10 =	sld [smem:$0x3FB1];
	_ =	sdelay $0x3  }
0x33: {  	p0 =	seq.s32 s10, $0x1;
	s10 =	sld [smem:$0x3FB3];
	_ =	sdelay $0x3  }
0x34: {  	[smem:$0x3FB3] =	sst s10  }
0x35: {  	s10 =	sld [smem:$0x3FB2];
	_ =	sdelay $0x3  }
0x36: {  	p1 =	seq.s32 s10, $0x1;
	s10 =	sld [smem:$0x3FB3];
	_ =	sdelay $0x3  }
0x37: {  	[smem:$0x3FB3] =	sst s10  }
0x38: {  	s10 =	sld [smem:$0x3FB4]  }
0x39: {  	_ = 	snop;
	(pc) =	sbr.ind lr, $3  }
0x3a: {  	_ = 	snop  }
0x3b: {  	_ = 	snop  }
0x3c: {  	p2 =	seq.s32 s10, $0x1;
	s10 =	sld [smem:$0x3FB3]  }
0x3d: {  	_ =	shalt  }
0x3e: {  	_ =	shalt  }
0x3f: {  	_ =	shalt  }
0x40: {  	_ =	shalt  }
0x41: {  	_ =	shalt  }
0x42: {  	_ =	shalt  }
0x43: {  	_ =	shalt  }
0x44: {  	_ =	shalt  }
0x45: {  	_ =	shalt  }
0x46: {  	_ =	shalt  }
0x47: {  	_ =	shalt  }
0x48: {  	_ =	shalt  }
0x49: {  	_ =	shalt  }
0x4a: {  	_ =	shalt  }
0x4b: {  	_ =	shalt  }
0x4c: {  	_ =	shalt  }
0x4d: {  	_ =	shalt  }
0x4e: {  	_ =	shalt  }
0x4f: {  	_ =	shalt  }
0x50: {  	_ =	shalt  }
0x51: {  	_ =	shalt  }
0x52: {  	_ =	shalt  }
0x53: {  	_ =	shalt  }
0x54: {  	_ =	shalt  }
0x55: {  	_ =	shalt  }
0x56: {  	_ =	shalt  }
0x57: {  	_ =	shalt  }
0x58: {  	_ =	shalt  }
0x59: {  	_ =	shalt  }
0x5a: {  	_ =	shalt  }
0x5b: {  	_ =	shalt  }
0x5c: {  	_ =	shalt  }
0x5d: {  	_ =	shalt  }
0x5e: {  	_ =	shalt  }
0x5f: {  	_ =	shalt  }
0x60: {  	_ =	shalt  }
0x61: {  	_ =	shalt  }
0x62: {  	_ =	shalt  }
0x63: {  	_ =	shalt  }
0x64: {  	_ =	shalt  }
0x65: {  	_ =	shalt  }
0x66: {  	_ =	shalt  }
0x67: {  	_ =	shalt  }
0x68: {  	_ =	shalt  }
0x69: {  	_ =	shalt  }
0x6a: {  	_ =	shalt  }
0x6b: {  	_ =	shalt  }
0x6c: {  	_ =	shalt  }
0x6d: {  	_ =	shalt  }
0x6e: {  	_ =	shalt  }
0x6f: {  	_ =	shalt  }
0x70: {  	_ =	shalt  }
0x71: {  	_ =	shalt  }
0x72: {  	_ =	shalt  }
0x73: {  	_ =	shalt  }
0x74: {  	_ =	shalt  }
0x75: {  	_ =	shalt  }
0x76: {  	_ =	shalt  }
0x77: {  	_ =	shalt  }
0x78: {  	_ =	shalt  }
0x79: {  	_ =	shalt  }
0x7a: {  	_ =	shalt  }
0x7b: {  	_ =	shalt  }
0x7c: {  	_ =	shalt  }
0x7d: {  	_ =	shalt  }
0x7e: {  	_ =	shalt  }
0x7f: {  	_ =	shalt  }
0x80: {  	_ =	shalt  }
0x81: {  	_ =	shalt  }
0x82: {  	_ =	shalt  }
0x83: {  	_ =	shalt  }
0x84: {  	_ =	shalt  }
0x85: {  	_ =	shalt  }
0x86: {  	_ =	shalt  }
0x87: {  	_ =	shalt  }
.Lfunc_end0:
.L_simem_size_0:
called_computation_lowered:
.L_overlay_start_0:
0x88: {  	s0 =	sld [smem:$0x3FD9]  }
0x89: {  	s1 =	sld [smem:$0x3FFE];
	_ =	sdelay $0x3  }
0x8a: {  	s0 =	sadd.s32 s1, s0  }
0x8b: {  	[smem:$0x3FBF] =	sst s0  }
0x8c: {  	_ = 	snop  }
0x8d: {  	(tm) =	ssettm $0x1  }
0x8e: {  	s15 =	sld [smem:$0x3FFB];
	_ =	sdelay $0x3  }
0x8f: {  	_ =	strace s15  }
0x90: {  	s0 =	sld [smem:$0x3FFC];
	_ =	sdelay $0x3  }
0x91: {  	_ =	strace s0  }
0x92: {  	s0 =	sld [smem:$0x3FFD];
	_ =	sdelay $0x3  }
0x93: {  	_ =	strace s0  }
0x94: {  	_ =	strace $0x8FFFFFFF  }
0x95: {  	s16 =	sld [smem:$0x3FDB];
	_ =	sdelay $0x1  }
0x96: {  	s17 =	simm.s32 $_scs_section_size  }
0x97: {  	s2 =	simm.s32 $_size__tile_overlayer_lowered;
	s3 =	simm.s32 $_tile_overlayer_lowered  }
0x98: {  	s20 =	simm.s32 $0x1BFF;
	s19 =	sshll.u32 s3, $0x1;
	s0 =	sadd.s32 s17, s16  }
0x99: {  	s4 =	simm.s32 $0x0;
	s18 =	sshll.u32 s2, $0x1;
	s2 =	sadd.s32 s19, s0  }
0x9a: {  	[timem:s4], [sflag:s20] =	dma.local [hbm:s2], s18  }
0x9b: {  	_ =	swait.ge [sflag:s20], s18  }
0x9c: {  	s1 =	ssub.s32 $0x0, s18;
	[sflag:s20] =	ssyncset.done $0x0  }
0x9d: {  	[sflag:s20] =	ssyncadd.s32 s1;
	_ =	sdelay $0x1  }
0x9e: {  	s21 =	simm.s32 $0x1B8B  }
0x9f: {  	_ =	swait.ge [sflag:s21], $0x1  }
0xa0: {  	[sflag:s21] =	ssyncset.done $0x0  }
0xa1: {  	s23 =	simm.s32 $0x1B8E;
	s22 =	sld [smem:$0x3FFE];
	[sflag:s21] =	ssyncadd.s32 $0xFFFFFFFF  }
0xa2: {  	s24 =	simm.s32 $execute0_lowered;
	[smem:$0x3FD2] =	sst s23  }
0xa3: {  	s2 =	sshll.u32 s24, $0x1;
	_ =	strace $0x80000046;
	[dreg:$0x1] =	wrdreg $0xFFFFFFFF  }
0xa4: {  	s25 =	simm.s32 $_size_execute0_lowered;
	s0 =	sadd.s32 s0, s2;
	[dreg:$0x0] =	wrdreg $0x0  }
0xa5: {  	s2 =	sshll.u32 s25, $0x1;
	[dreg:$0x2] =	wrdreg s0  }
0xa6: {  	[dreg:$0x3] =	wrdreg s2  }
0xa7: {  	[dreg:$0x4] =	wrdreg $0xC0  }
0xa8: {  	_ =	task [dreg:s4], $0x5FFFF  }
0xa9: {  	[dreg:$0x1] =	wrdreg $0xFFFFFFFF  }
0xaa: {  	[dreg:$0x0] =	wrdreg $0x60  }
0xab: {  	[dreg:$0x2] =	wrdreg s22  }
0xac: {  	[dreg:$0x3] =	wrdreg $0x9  }
0xad: {  	_ =	task.clear_ibuf [dreg:s4], $0x4FFFF;
	_ =	strace $0x90000046  }
0xae: {  	s26 =	simm.s32 $0x9;
	_ =	strace $0x80000048  }
0xaf: {  	_ =	swait.ge [sflag:s26], $0x1  }
0xb0: {  	[sflag:s26] =	ssyncadd.s32 $0xFFFFFFFF  }
0xb1: {  	_ =	strace $0x90000048  }
0xb2: {  	_ =	sfence  }
0xb3: {  	s28 =	sld [smem:$0x0];
	_ =	sdelay $0x1  }
0xb4: {  	s29 =	srdreg.scid  }
0xb5: {  	s30 =	sshll.u32 s29, $0xD;
	s31 =	sshrl.u32 s29, $0x2  }
0xb6: {  	s1 =	sand.u32 $0x1, s29;
	s2 =	sand.u32 $0x4000, s30;
	s0 =	sadd.s32 s31, s28  }
0xb7: {  	s1 =	sor.u32 s2, s1;
	s0 =	sshll.u32 s0, $0x11  }
0xb8: {  	s0 =	sor.u32 s0, s1  }
0xb9: {  	s0 =	sadd.s32 $0x8F2B, s0  }
0xba: {  	[sflag:s0] =	ssyncadd.remote.s32 $0x1  }
0xbb: {  	_ =	sfence.sel $0xFFFF  }
0xbc: {  	[dreg:$0x0] =	wrdreg $0xFFFFFFFF;
	(pc) =	sbr.abs _section_cstart, $3  }
0xbd: {  	[dreg:$0x1] =	wrdreg $0xFFFFFFFF  }
0xbe: {  	_ =	task.clear_ibuf [dreg:s4], $0x2FFFF;
	_ =	strace $0x9FFFFFFF  }
0xbf: {  	(tm) =	ssettm $0x7FFFFFFF  }
tec
execute0_lowered:
.L_overlay_start_1:
0x0: {  	(tag) =	ssettag $0x1  }
0x1: {  	s2 =	rddreg [dreg:$0x0]  }
0x2: {  	s0 =	rddreg [dreg:$0x1]  }
0x3: {  	_ =	strace $0x80000047;
	s4 =	stileid.u32;
	s5 =	simm.s32 $0x3E  }
0x4: {  	s1 =	sadd.s32 $0xF000, s2;
	p0 =	sne.s32 s4, $0x0;
	[sflag:s5] =	ssyncpa.u1 $0x0  }
0x5: {  	s30 =	smin.u32 s4, $0x4;
	s3 =	simm.s32 @!p0 $0x1C3E;
	s6 =	simm.s32 @!p0 $0x0  }
0x6: {  	[spmem:s6], [sflag:s3] =	dma.local @!p0 [hbm:s1], $0x500  }
0x7: {  	s3 =	sadd.s32 s4, s30  }
0x8: {  	p1 =	slt.u32 s4, $0x4;
	s4 =	simm.s32 $0x3E80;
	s3 =	smul.u32 $0x1F40, s3  }
0x9: {  	s4 =	simm.s32 @!p1 $0x1F40  }
0xa: {  	s4 =	sadd.s32 s4, s3  }
0xb: {  	s4 =	smin.u32 s4, $0x27100  }
0xc: {  	s7 =	ssub.s32 s4, s3  }
0xd: {  	p1 =	sgt.s32 s7, $0x0  }
0xe: {  	s7 =	simm.s32 @!p1 $0x0  }
0xf: {  	s6 =	simm.s32 @!p0 $0x3E;
	s31 =	smulhi.u32 $0x10624DD3, s7  }
0x10: {  	_ =	swait.ge @!p0 [sflag:s6], $0x500  }
0x11: {  	[sflag:s6] =	ssyncset.done @!p0 $0x0;
	s8 =	sshrl.u32 s31, $0x9  }
0x12: {  	s11 =	simm.s32 $0x0;
	[sflag:s6] =	ssyncadd.s32 @!p0 $0xFFFFFB00;
	s9 =	smul.u32 $0x1F40, s8  }
.Ltmp0:
0x13: {  	s6 =	simm.s32 $0x2;
	[bflag:$0x0] =	sbarrier.arrive $0xFFFF;
	(pc) =	sbr.rel .LBB2_1-.Ltmp0, $4  }
0x14: {  	s10 =	smov.u32 s3;
	[sflag:s5] =	ssyncpa.u1 $0x1;
	s5 =	simm.s32 $0x1  }
0x15: {  	[sflag:s5] =	ssyncpa.u1 $0x0;
	p1 =	sne.s32 s7, s9;
	s9 =	simm.s32 $0x1  }
0x16: {  	(ifvalue) =	ssetifvalue $0x2800;
	[sflag:s6] =	ssyncpa.u1 $0x0;
	s9 =	simm.s32 @!p1 $0x0  }
0x17: {  	vm0 =	vmmov $0xffff;
	s7 =	sadd.s32 $0xA000, s2;
	s8 =	sadd.s32 s9, s8;
	s9 =	simm.s32 $0x0  }
.LBB2_5:
0x18: {  	p2 =	sne.s32 s11, s8  }
.Ltmp1:
0x19: {  	_ = 	snop;
	(pc) =	sbr.rel @!p2 .LBB2_6-.Ltmp1, $4  }
0x1a: {  	_ = 	snop  }
0x1b: {  	s12 =	sadd.s32 $0x1F40, s10  }
0x1c: {  	s10 =	smov.u32 s3;
	s13 =	sadd.s32 $0x1, s11;
	p1 =	slt.s32 s12, s4  }
0x1d: {  	s11 =	smov.u32 s13;
	s10 =	smov.u32 @p1 s12  }
.LBB2_1:
0x1e: {  	p1 =	sge.u32 s11, s8  }
0x1f: {  	s12 =	sxor.u32 @!p1 $0xFFFFFFFF, s11  }
0x20: {  	s12 =	sand.u32 @!p1 $0x1, s12  }
0x21: {  	s12 =	smul.u32 @!p1 $0x1F40, s12  }
0x22: {  	s13 =	sshrl.u32 @!p1 s10, $0x3  }
0x23: {  	s16 =	sand.u32 @!p1 $0x7, s10;
	s14 =	sadd.s32 @!p1 s2, s13;
	s15 =	sadd.s32 @!p1 $0x280, s12  }
0x24: {  	[tilespmem:s15], [sflag:$0x2] =	stream.linear.gather @!p1 [hbm4b:s14+s16], $0x1F40, $0x38;
	[tilespmem:$0x7F80] =	vst v63  }
0x25: {  	s13 =	sadd.s32 @!p1 s7, s13;
	s12 =	sadd.s32 @!p1 $0x4100, s12  }
0x26: {  	[tilespmem:s12], [sflag:$0x2] =	stream.linear.gather @!p1 [hbm4b:s13+s16], $0x1F40, $0x38;
	[tilespmem:$0x7F80] =	vst v63  }
0x27: {  	p1 =	seq.s32 s11, $0x0  }
.Ltmp2:
0x28: {  	_ = 	snop;
	(pc) =	sbr.rel @p1 .LBB2_5-.Ltmp2, $1  }
0x29: {  	_ =	sdelay $0x3  }
0x2a: {  	s12 =	sand.u32 $0x1, s11  }
0x2b: {  	_ =	swait.ge [sflag:s6], $0x3E80;
	p1 =	seq.s32 s12, $0x1;
	s12 =	simm.s32 $0x1F40  }
0x2c: {  	[sflag:s6] =	ssyncset.done $0x0;
	s12 =	simm.s32 @!p1 $0x0  }
0x2d: {  	[sflag:s6] =	ssyncadd.s32 $0xFFFFC180;
	s14 =	sadd.s32 $0x280, s12  }
0x2e: {  	v0 =	vld.msk [tilespmem:s14+$0x0 ss:$0x1], $0xffff;
	_ =	sdelay $0x4  }
0x2f: {  	v0 =	vmin.u32 v0, $0x2800;
	_ =	sdelay $0x3  }
0x30: {  	s13 =	simm.s32 $0x0;
	s12 =	sadd.s32 $0x4100, s12;
	s14 =	sadd.s32 $0x10, s14  }
0x31: {  	[spmem:s9] =	stream.indirect_vreg.scatter.add.s32 [tilespmem:s12], [sflag:$0x1], $0x1, v0, vm0, $0x4038;
	[tilespmem:$0x7F80] =	vst v63  }
.LBB2_3:
0x32: {  	v0 =	vld.msk [tilespmem:s14+$0x0 ss:$0x1], $0xffff;
	s13 =	sadd.s32 $0x10, s13  }
0x33: {  	p1 =	slt.u32 s13, $0x1F30;
	_ =	sdelay $0x4  }
0x34: {  	v0 =	vmin.u32 v0, $0x2800  }
.Ltmp3:
0x35: {  	(pc) =	sbr.rel @p1 .LBB2_3-.Ltmp3, $3  }
0x36: {  	_ =	sdelay $0x1  }
0x37: {  	s14 =	sadd.s32 $0x10, s14;
	s12 =	sadd.s32 $0x10, s12  }
0x38: {  	[spmem:s9] =	stream.indirect_vreg.scatter.add.s32 [tilespmem:s12], [sflag:$0x1], $0x1, v0, vm0, $0x4038;
	[tilespmem:$0x7F80] =	vst v63  }
.Ltmp4:
0x39: {  	(pc) =	sbr.rel .LBB2_5-.Ltmp4, $4  }
0x3a: {  	_ = 	snop  }
0x3b: {  	_ =	swait.ge [sflag:s5], $0x1F40  }
0x3c: {  	[sflag:s5] =	ssyncset.done $0x0  }
0x3d: {  	[sflag:s5] =	ssyncadd.s32 $0xFFFFE0C0  }
.LBB2_6:
0x3e: {  	_ =	sfence.sel $0x180000  }
0x3f: {  	s2 =	simm.s32 $0x2;
	[bflag:$0x0] =	sbarrier.arrive $0xFFFF  }
0x40: {  	s30 =	simm.s32 $0x1;
	[sflag:s2] =	ssyncpa.u1 $0x1  }
0x41: {  	[sflag:s30] =	ssyncpa.u1 $0x1  }
0x42: {  	_ =	sfence.stream.spmem  }
0x43: {  	s31 =	simm.s32 $0x3D;
	[bflag:$0x0] =	sbarrier.arrive $0xFFFF  }
0x44: {  	s2 =	simm.s32 @p0 $0x3D;
	[sflag:s31] =	ssyncpa.u1 $0x0  }
0x45: {  	[sflag:s2] =	ssyncpa.u1 @p0 $0x1  }
0x46: {  	[bflag:$0x0] =	sbarrier.arrive @p0 $0xFFFF  }
0x47: {  	_ =	strace @p0 $0x90000047  }
0x48: {  	s3 =	simm.s32 @!p0 $0x1C3D;
	s2 =	simm.s32 @!p0 $0x0;
	[bflag:$0x2] =	sbarrier.arrive @p0 $0xFFFF  }
0x49: {  	[hbm:s1], [sflag:s3] =	dma.local @!p0 [spmem:s2], $0x500  }
0x4a: {  	s1 =	simm.s32 @!p0 $0x3D  }
0x4b: {  	_ =	swait.ge @!p0 [sflag:s1], $0x500  }
0x4c: {  	[sflag:s1] =	ssyncset.done @!p0 $0x0  }
0x4d: {  	[sflag:s1] =	ssyncadd.s32 @!p0 $0xFFFFFB00  }
0x4e: {  	[sflag:s1] =	ssyncpa.u1 @!p0 $0x1  }
0x4f: {  	[bflag:$0x0] =	sbarrier.arrive @!p0 $0xFFFF  }
0x50: {  	_ =	strace @!p0 $0x90000047  }
0x51: {  	s0 =	sadd.s32 @!p0 $0x100000, s0;
	[bflag:$0x2] =	sbarrier.arrive @!p0 $0xFFFF  }
0x52: {  	[sflag:s0] =	ssyncadd.tile.s32 @!p0 $0x1;
	_ =	shalt  }
.Lfunc_end2:
_tile_overlayer_lowered:
.L_overlay_start_2:
0x53: {  	(tag) =	ssettag $0x2  }
0x54: {  	s0 =	rddreg [dreg:$0x0];
	s2 =	stileid.u32  }
0x55: {  	s1 =	rddreg [dreg:$0x1];
	p0 =	sne.s32 s2, $0x0  }
0x56: {  	s3 =	rddreg [dreg:$0x2];
	[bflag:$0x3] =	sbarrier.arrive $0xFFFF;
	s2 =	simm.s32 @!p0 $0x1C01  }
0x57: {  	[timem:s3], [sflag:s2] =	dma.local @!p0 [hbm:s0], s1  }
0x58: {  	s0 =	simm.s32 @!p0 $0x1  }
0x59: {  	_ =	swait.ge @!p0 [sflag:s0], s1  }
0x5a: {  	s1 =	ssub.s32 @!p0 $0x0, s1;
	[sflag:s0] =	ssyncset.done @!p0 $0x0  }
0x5b: {  	[sflag:s0] =	ssyncadd.s32 @!p0 s1  }
0x5c: {  	[bflag:$0x3] =	sbarrier.arrive $0xFFFF  }
0x5d: {  	_ =	shalt  }

</sc_bundles>
